<compile_context>
chip_gen: v7x
topology: tpu7x:2x2x1
jax: 0.10.2.dev20260603
libtpu: 0.0.44.dev20260713+nightly
codegen_flags: <defaults>
</compile_context>

<pallas_src>
import functools

import jax
import jax.numpy as jnp
from jax import lax
from jax.experimental import pallas as pl
from jax.experimental.pallas import tpu as pltpu
from jax.experimental.pallas import tpu_sc as plsc

_BATCH = 16384
_HIST = 200
_D = 64
_HB = 256
_GS = 128


@functools.cache
def _build():
    info = plsc.get_sparse_core_info()
    nc, ns = info.num_cores, info.num_subcores
    nw = nc * ns
    nb = _BATCH // nw
    nhalf = nb // _HB

    mesh = plsc.VectorSubcoreMesh(core_axis_name="c", subcore_axis_name="s")

    def body(xt_hbm, tab_hbm, out_hbm, idx0, idx1, rows0, rows1, st0, st1,
             si0, si1, sg0, sg1, so0, so1):
        idx = (idx0, idx1)
        rows = (rows0, rows1)
        stage = (st0, st1)
        si = (si0, si1)
        sg = (sg0, sg1)
        so = (so0, so1)
        wid = lax.axis_index("s") * nc + lax.axis_index("c")
        b0 = wid * nb
        bt0 = wid * (nb // 128)
        iota16 = lax.iota(jnp.int32, 16)

        def fire_idx(h, half):
            b = half
            pltpu.async_copy(
                xt_hbm.at[h, pl.ds(b0 + half * _HB, _HB)], idx[b], si[b])

        def transpose_prev(bp, drain=True):
            if drain:
                pltpu.make_async_copy(
                    stage[bp], out_hbm.at[0, :, pl.ds(0, 2), :, :],
                    so[bp]).wait()

            @pl.loop(0, 16)
            def _(rblk):
                rvec = rblk * 16 + iota16
                btl = rblk // 8
                bi0 = (rblk % 8) * 16
                dvec0 = jnp.zeros((16,), jnp.int32)

                @plsc.parallel_loop(0, _D, unroll=8, carry=dvec0)
                def _(d, dvec):
                    v = plsc.load_gather(rows[bp], [rvec, dvec])
                    stage[bp][d // 8, btl, d % 8, pl.ds(bi0, 16)] = v
                    return dvec + 1

        def fire_store(h, half):
            bp = half
            pltpu.async_copy(
                stage[bp],
                out_hbm.at[h, :, pl.ds(bt0 + half * 2, 2), :, :],
                so[bp])

        def step(h, half, transpose_h, prefetch, drain=True):
            b = half
            pltpu.make_async_copy(
                xt_hbm.at[0, pl.ds(0, _HB)], idx[b], si[b]).wait()
            descs = [
                pltpu.async_copy(
                    tab_hbm.at[idx[b].at[pl.ds(j * _GS, _GS)]],
                    rows[b].at[pl.ds(j * _GS, _GS), :],
                    sg[b],
                )
                for j in range(_HB // _GS)
            ]
            if transpose_h is not None:
                ph, phalf = transpose_h
                transpose_prev(phalf, drain=drain)
                fire_store(ph, phalf)
            for d in descs:
                d.wait()
            if prefetch:
                fire_idx(h + 1, half)

        fire_idx(0, 0)
        fire_idx(0, 1)
        step(0, 0, None, prefetch=True)
        step(0, 1, (0, 0), prefetch=True, drain=False)
        step(1, 0, (0, 1), prefetch=True, drain=False)
        step(1, 1, (1, 0), prefetch=True)

        @pl.loop(2, _HIST - 1)
        def _(h):
            step(h, 0, (h - 1, 1), prefetch=True)
            step(h, 1, (h, 0), prefetch=True)

        h = _HIST - 1
        step(h, 0, (h - 1, 1), prefetch=False)
        step(h, 1, (h, 0), prefetch=False)
        transpose_prev(1)
        fire_store(h, 1)
        pltpu.make_async_copy(
            stage[0], out_hbm.at[0, :, pl.ds(0, 2), :, :], so[0]).wait()
        pltpu.make_async_copy(
            stage[1], out_hbm.at[0, :, pl.ds(0, 2), :, :], so[1]).wait()

    run = pl.kernel(
        body,
        out_type=jax.ShapeDtypeStruct(
            (_HIST, _D // 8, _BATCH // 128, 8, 128), jnp.float32),
        mesh=mesh,
        scratch_types=[
            pltpu.VMEM((_HB,), jnp.int32),
            pltpu.VMEM((_HB,), jnp.int32),
            pltpu.VMEM((_HB, _D), jnp.float32),
            pltpu.VMEM((_HB, _D), jnp.float32),
            pltpu.VMEM((_D // 8, 2, 8, 128), jnp.float32),
            pltpu.VMEM((_D // 8, 2, 8, 128), jnp.float32),
            pltpu.SemaphoreType.DMA,
            pltpu.SemaphoreType.DMA,
            pltpu.SemaphoreType.DMA,
            pltpu.SemaphoreType.DMA,
            pltpu.SemaphoreType.DMA,
            pltpu.SemaphoreType.DMA,
        ],
        compiler_params=pltpu.CompilerParams(
            use_tc_tiling_on_sc=False, needs_layout_passes=False,
            disable_bounds_checks=True),
    )
    return run


def kernel(x, embeddings):
    run = _build()
    out5 = run(x.T.astype(jnp.int32), embeddings)
    return out5.transpose(2, 4, 0, 1, 3).reshape(_BATCH, _HIST, _D)

# --- scband reference (transcript-rebuilt; emitter-appended) ---
"""Pipeline reference for scband-sinusoidal-number-embedding-29721173688600 (READ-ONLY COPY).

The authoritative reference and input builder live on the scoring server;
editing this copy changes nothing except your own understanding.
"""

import jax, jax.numpy as jnp
import numpy as np

MAX_NUM = 999999
D_MODEL = 64
BASE = 100.0
BATCH = 16384
HIST = 200


def _build_table(max_num, d_model, base):
    n_vals = jnp.arange(max_num + 1, dtype=jnp.float32)[:, None]
    dim_indices = jnp.arange(d_model, dtype=jnp.float32)[None, :]
    freqs = 1.0 / base ** (2.0 * jnp.floor(dim_indices / 2.0) / d_model)
    angles = n_vals * freqs
    emb = jnp.zeros((max_num + 1, d_model), dtype=jnp.float32)
    emb = emb.at[:, 0::2].set(jnp.sin(angles[:, 0::2]))
    emb = emb.at[:, 1::2].set(jnp.cos(angles[:, 1::2]))
    return emb


def setup_inputs(seed: int = 0) -> dict:
    key = jax.random.key(seed)
    x = jax.random.randint(key, (BATCH, HIST), 0, MAX_NUM + 1)
    embeddings = _build_table(MAX_NUM, D_MODEL, BASE)
    return {"x": x, "embeddings": embeddings}


def reference(x, embeddings):
    # SinusoidalNumberEmbedding.forward: table lookup by value
    return jnp.take(embeddings, x, axis=0)

if __name__ == "__main__":
    import jax
    _d = setup_inputs()
    print(jax.jit(kernel)(*tuple(_d.values())))

</pallas_src>

<mosaic_0001>
#map = affine_map<(d0, d1) -> (0, 0)>
#map1 = affine_map<(d0, d1) -> (0, 0, 0, 0, 0)>
module attributes {stable_mosaic.version = 14 : i64} {
  func.func @body(%arg0: i32, %arg1: i32, %arg2: memref<200x16384xi32, #tpu.memory_space<hbm>>, %arg3: memref<1000000x64xf32, #tpu.memory_space<hbm>>, %arg4: memref<200x8x128x8x128xf32, #tpu.memory_space<hbm>>, %arg5: memref<256xi32, #tpu.memory_space<vmem>>, %arg6: memref<256xi32, #tpu.memory_space<vmem>>, %arg7: memref<256x64xf32, #tpu.memory_space<vmem>>, %arg8: memref<256x64xf32, #tpu.memory_space<vmem>>, %arg9: memref<8x2x8x128xf32, #tpu.memory_space<vmem>>, %arg10: memref<8x2x8x128xf32, #tpu.memory_space<vmem>>, %arg11: memref<!tpu.dma_semaphore, #tpu.memory_space<semaphore_mem>>, %arg12: memref<!tpu.dma_semaphore, #tpu.memory_space<semaphore_mem>>, %arg13: memref<!tpu.dma_semaphore, #tpu.memory_space<semaphore_mem>>, %arg14: memref<!tpu.dma_semaphore, #tpu.memory_space<semaphore_mem>>, %arg15: memref<!tpu.dma_semaphore, #tpu.memory_space<semaphore_mem>>, %arg16: memref<!tpu.dma_semaphore, #tpu.memory_space<semaphore_mem>>) attributes {dimension_semantics = [#tpu.dimension_semantics<core_parallel>, #tpu.dimension_semantics<subcore_parallel>], iteration_bounds = array<i64: 2, 16>, scalar_prefetch = 0 : i64, scratch_operands = 12 : i64, tpu.core_type = #tpu.core_type<sc_vector_subcore>, window_params = [{transform_indices = #map}, {transform_indices = #map}, {transform_indices = #map1}]} {
    %mul3A = arith.constant 2 : i32
    %mul3A_0 = arith.muli %arg1, %mul3A : i32
    %add3A = arith.addi %mul3A_0, %arg0 : i32
    %mul3A_1 = arith.constant 512 : i32
    %mul3A_2 = arith.muli %add3A, %mul3A_1 : i32
    %mul3A_3 = arith.constant 4 : i32
    %mul3A_4 = arith.muli %add3A, %mul3A_3 : i32
    %iota3A = tpu.iota {dimensions = array<i32: 0>} : vector<16xi32>
    %add3A_5 = arith.constant 0 : i32
    %add3A_6 = arith.addi %mul3A_2, %add3A_5 : i32
    %dma_start3A = arith.constant 0 : i32
    %dma_start3A_7 = tpu.memref_slice %arg2[%dma_start3A, %add3A_6] : memref<200x16384xi32, #tpu.memory_space<hbm>> -> memref<1x256xi32, #tpu.memory_space<hbm>>
    %dma_start3A_8 = tpu.memref_squeeze %dma_start3A_7 : memref<1x256xi32, #tpu.memory_space<hbm>> -> memref<256xi32, #tpu.memory_space<hbm>>
    %dma_start3A_9 = tpu.memref_slice %arg2[%dma_start3A, %add3A_6] : memref<200x16384xi32, #tpu.memory_space<hbm>> -> memref<1x256xi32, #tpu.memory_space<hbm>>
    %dma_start3A_10 = tpu.memref_squeeze %dma_start3A_9 : memref<1x256xi32, #tpu.memory_space<hbm>> -> memref<256xi32, #tpu.memory_space<hbm>>
    tpu.enqueue_dma source(%dma_start3A_10 : memref<256xi32, #tpu.memory_space<hbm>>) target(%arg5 : memref<256xi32, #tpu.memory_space<vmem>>) target_semaphore(%arg11 : memref<!tpu.dma_semaphore, #tpu.memory_space<semaphore_mem>>)
    %add3A_11 = arith.constant 256 : i32
    %add3A_12 = arith.addi %mul3A_2, %add3A_11 : i32
    %dma_start3A_13 = arith.constant 0 : i32
    %dma_start3A_14 = tpu.memref_slice %arg2[%dma_start3A_13, %add3A_12] : memref<200x16384xi32, #tpu.memory_space<hbm>> -> memref<1x256xi32, #tpu.memory_space<hbm>>
    %dma_start3A_15 = tpu.memref_squeeze %dma_start3A_14 : memref<1x256xi32, #tpu.memory_space<hbm>> -> memref<256xi32, #tpu.memory_space<hbm>>
    %dma_start3A_16 = tpu.memref_slice %arg2[%dma_start3A_13, %add3A_12] : memref<200x16384xi32, #tpu.memory_space<hbm>> -> memref<1x256xi32, #tpu.memory_space<hbm>>
    %dma_start3A_17 = tpu.memref_squeeze %dma_start3A_16 : memref<1x256xi32, #tpu.memory_space<hbm>> -> memref<256xi32, #tpu.memory_space<hbm>>
    tpu.enqueue_dma source(%dma_start3A_17 : memref<256xi32, #tpu.memory_space<hbm>>) target(%arg6 : memref<256xi32, #tpu.memory_space<vmem>>) target_semaphore(%arg12 : memref<!tpu.dma_semaphore, #tpu.memory_space<semaphore_mem>>)
    %dma_wait3A = arith.constant 0 : i32
    %dma_wait3A_18 = arith.constant 0 : i32
    %dma_wait3A_19 = tpu.memref_slice %arg2[%dma_wait3A, %dma_wait3A_18] : memref<200x16384xi32, #tpu.memory_space<hbm>> -> memref<1x256xi32, #tpu.memory_space<hbm>>
    %dma_wait3A_20 = tpu.memref_squeeze %dma_wait3A_19 : memref<1x256xi32, #tpu.memory_space<hbm>> -> memref<256xi32, #tpu.memory_space<hbm>>
    %dma_wait3A_21 = arith.constant 0 : i32
    %dma_wait3A_22 = tpu.memref_slice %arg2[%dma_wait3A, %dma_wait3A_21] : memref<200x16384xi32, #tpu.memory_space<hbm>> -> memref<1x256xi32, #tpu.memory_space<hbm>>
    %dma_wait3A_23 = tpu.memref_squeeze %dma_wait3A_22 : memref<1x256xi32, #tpu.memory_space<hbm>> -> memref<256xi32, #tpu.memory_space<hbm>>
    tpu.wait_dma2 semaphore(%arg11 : memref<!tpu.dma_semaphore, #tpu.memory_space<semaphore_mem>>) src(%dma_wait3A_23 : memref<256xi32, #tpu.memory_space<hbm>>) dst(%arg5 : memref<256xi32, #tpu.memory_space<vmem>>)
    %dma_start3A_24 = arith.constant 0 : i32
    %dma_start3A_25 = arith.constant 0 : i32
    %dma_start3A_26 = tpu.memref_slice %arg7[%dma_start3A_24, %dma_start3A_25] : memref<256x64xf32, #tpu.memory_space<vmem>> -> memref<128x64xf32, #tpu.memory_space<vmem>>
    %dma_start3A_27 = arith.constant 0 : i32
    %dma_start3A_28 = tpu.memref_slice %arg5[%dma_start3A_27] : memref<256xi32, #tpu.memory_space<vmem>> -> memref<128xi32, #tpu.memory_space<vmem>>
    %dma_start3A_29 = arith.constant 0 : i32
    %dma_start3A_30 = arith.constant 0 : i32
    %dma_start3A_31 = tpu.memref_slice %arg3[%dma_start3A_29, %dma_start3A_30] : memref<1000000x64xf32, #tpu.memory_space<hbm>> -> memref<1000000x64xf32, #tpu.memory_space<hbm>>
    tpu.enqueue_indirect_dma source(%dma_start3A_31 : memref<1000000x64xf32, #tpu.memory_space<hbm>>) target(%dma_start3A_26 : memref<128x64xf32, #tpu.memory_space<vmem>>) offsets(%dma_start3A_28 : memref<128xi32, #tpu.memory_space<vmem>>) semaphore(%arg13 : memref<!tpu.dma_semaphore, #tpu.memory_space<semaphore_mem>>)
    %dma_start3A_32 = arith.constant 128 : i32
    %dma_start3A_33 = arith.constant 0 : i32
    %dma_start3A_34 = tpu.memref_slice %arg7[%dma_start3A_32, %dma_start3A_33] : memref<256x64xf32, #tpu.memory_space<vmem>> -> memref<128x64xf32, #tpu.memory_space<vmem>>
    %dma_start3A_35 = arith.constant 128 : i32
    %dma_start3A_36 = tpu.memref_slice %arg5[%dma_start3A_35] : memref<256xi32, #tpu.memory_space<vmem>> -> memref<128xi32, #tpu.memory_space<vmem>>
    %dma_start3A_37 = arith.constant 0 : i32
    %dma_start3A_38 = arith.constant 0 : i32
    %dma_start3A_39 = tpu.memref_slice %arg3[%dma_start3A_37, %dma_start3A_38] : memref<1000000x64xf32, #tpu.memory_space<hbm>> -> memref<1000000x64xf32, #tpu.memory_space<hbm>>
    tpu.enqueue_indirect_dma source(%dma_start3A_39 : memref<1000000x64xf32, #tpu.memory_space<hbm>>) target(%dma_start3A_34 : memref<128x64xf32, #tpu.memory_space<vmem>>) offsets(%dma_start3A_36 : memref<128xi32, #tpu.memory_space<vmem>>) semaphore(%arg13 : memref<!tpu.dma_semaphore, #tpu.memory_space<semaphore_mem>>)
    %dma_wait3A_40 = arith.constant 0 : i32
    %dma_wait3A_41 = arith.constant 0 : i32
    %dma_wait3A_42 = tpu.memref_slice %arg7[%dma_wait3A_40, %dma_wait3A_41] : memref<256x64xf32, #tpu.memory_space<vmem>> -> memref<128x64xf32, #tpu.memory_space<vmem>>
    %dma_wait3A_43 = arith.constant 0 : i32
    %dma_wait3A_44 = tpu.memref_slice %arg5[%dma_wait3A_43] : memref<256xi32, #tpu.memory_space<vmem>> -> memref<128xi32, #tpu.memory_space<vmem>>
    %dma_wait3A_45 = arith.constant 0 : i32
    %dma_wait3A_46 = arith.constant 0 : i32
    %dma_wait3A_47 = tpu.memref_slice %arg3[%dma_wait3A_45, %dma_wait3A_46] : memref<1000000x64xf32, #tpu.memory_space<hbm>> -> memref<1000000x64xf32, #tpu.memory_space<hbm>>
    tpu.wait_indirect_dma semaphore(%arg13 : memref<!tpu.dma_semaphore, #tpu.memory_space<semaphore_mem>>) src(%dma_wait3A_47 : memref<1000000x64xf32, #tpu.memory_space<hbm>>) dst(%dma_wait3A_42 : memref<128x64xf32, #tpu.memory_space<vmem>>)
    %dma_wait3A_48 = arith.constant 128 : i32
    %dma_wait3A_49 = arith.constant 0 : i32
    %dma_wait3A_50 = tpu.memref_slice %arg7[%dma_wait3A_48, %dma_wait3A_49] : memref<256x64xf32, #tpu.memory_space<vmem>> -> memref<128x64xf32, #tpu.memory_space<vmem>>
    %dma_wait3A_51 = arith.constant 128 : i32
    %dma_wait3A_52 = tpu.memref_slice %arg5[%dma_wait3A_51] : memref<256xi32, #tpu.memory_space<vmem>> -> memref<128xi32, #tpu.memory_space<vmem>>
    %dma_wait3A_53 = arith.constant 0 : i32
    %dma_wait3A_54 = arith.constant 0 : i32
    %dma_wait3A_55 = tpu.memref_slice %arg3[%dma_wait3A_53, %dma_wait3A_54] : memref<1000000x64xf32, #tpu.memory_space<hbm>> -> memref<1000000x64xf32, #tpu.memory_space<hbm>>
    tpu.wait_indirect_dma semaphore(%arg13 : memref<!tpu.dma_semaphore, #tpu.memory_space<semaphore_mem>>) src(%dma_wait3A_55 : memref<1000000x64xf32, #tpu.memory_space<hbm>>) dst(%dma_wait3A_50 : memref<128x64xf32, #tpu.memory_space<vmem>>)
    %add3A_56 = arith.constant 0 : i32
    %add3A_57 = arith.addi %mul3A_2, %add3A_56 : i32
    %dma_start3A_58 = arith.constant 1 : i32
    %dma_start3A_59 = tpu.memref_slice %arg2[%dma_start3A_58, %add3A_57] : memref<200x16384xi32, #tpu.memory_space<hbm>> -> memref<1x256xi32, #tpu.memory_space<hbm>>
    %dma_start3A_60 = tpu.memref_squeeze %dma_start3A_59 : memref<1x256xi32, #tpu.memory_space<hbm>> -> memref<256xi32, #tpu.memory_space<hbm>>
    %dma_start3A_61 = tpu.memref_slice %arg2[%dma_start3A_58, %add3A_57] : memref<200x16384xi32, #tpu.memory_space<hbm>> -> memref<1x256xi32, #tpu.memory_space<hbm>>
    %dma_start3A_62 = tpu.memref_squeeze %dma_start3A_61 : memref<1x256xi32, #tpu.memory_space<hbm>> -> memref<256xi32, #tpu.memory_space<hbm>>
    tpu.enqueue_dma source(%dma_start3A_62 : memref<256xi32, #tpu.memory_space<hbm>>) target(%arg5 : memref<256xi32, #tpu.memory_space<vmem>>) target_semaphore(%arg11 : memref<!tpu.dma_semaphore, #tpu.memory_space<semaphore_mem>>)
    %dma_wait3A_63 = arith.constant 0 : i32
    %dma_wait3A_64 = arith.constant 0 : i32
    %dma_wait3A_65 = tpu.memref_slice %arg2[%dma_wait3A_63, %dma_wait3A_64] : memref<200x16384xi32, #tpu.memory_space<hbm>> -> memref<1x256xi32, #tpu.memory_space<hbm>>
    %dma_wait3A_66 = tpu.memref_squeeze %dma_wait3A_65 : memref<1x256xi32, #tpu.memory_space<hbm>> -> memref<256xi32, #tpu.memory_space<hbm>>
    %dma_wait3A_67 = arith.constant 0 : i32
    %dma_wait3A_68 = tpu.memref_slice %arg2[%dma_wait3A_63, %dma_wait3A_67] : memref<200x16384xi32, #tpu.memory_space<hbm>> -> memref<1x256xi32, #tpu.memory_space<hbm>>
    %dma_wait3A_69 = tpu.memref_squeeze %dma_wait3A_68 : memref<1x256xi32, #tpu.memory_space<hbm>> -> memref<256xi32, #tpu.memory_space<hbm>>
    tpu.wait_dma2 semaphore(%arg12 : memref<!tpu.dma_semaphore, #tpu.memory_space<semaphore_mem>>) src(%dma_wait3A_69 : memref<256xi32, #tpu.memory_space<hbm>>) dst(%arg6 : memref<256xi32, #tpu.memory_space<vmem>>)
    %dma_start3A_70 = arith.constant 0 : i32
    %dma_start3A_71 = arith.constant 0 : i32
    %dma_start3A_72 = tpu.memref_slice %arg8[%dma_start3A_70, %dma_start3A_71] : memref<256x64xf32, #tpu.memory_space<vmem>> -> memref<128x64xf32, #tpu.memory_space<vmem>>
    %dma_start3A_73 = arith.constant 0 : i32
    %dma_start3A_74 = tpu.memref_slice %arg6[%dma_start3A_73] : memref<256xi32, #tpu.memory_space<vmem>> -> memref<128xi32, #tpu.memory_space<vmem>>
    %dma_start3A_75 = arith.constant 0 : i32
    %dma_start3A_76 = arith.constant 0 : i32
    %dma_start3A_77 = tpu.memref_slice %arg3[%dma_start3A_75, %dma_start3A_76] : memref<1000000x64xf32, #tpu.memory_space<hbm>> -> memref<1000000x64xf32, #tpu.memory_space<hbm>>
    tpu.enqueue_indirect_dma source(%dma_start3A_77 : memref<1000000x64xf32, #tpu.memory_space<hbm>>) target(%dma_start3A_72 : memref<128x64xf32, #tpu.memory_space<vmem>>) offsets(%dma_start3A_74 : memref<128xi32, #tpu.memory_space<vmem>>) semaphore(%arg14 : memref<!tpu.dma_semaphore, #tpu.memory_space<semaphore_mem>>)
    %dma_start3A_78 = arith.constant 128 : i32
    %dma_start3A_79 = arith.constant 0 : i32
    %dma_start3A_80 = tpu.memref_slice %arg8[%dma_start3A_78, %dma_start3A_79] : memref<256x64xf32, #tpu.memory_space<vmem>> -> memref<128x64xf32, #tpu.memory_space<vmem>>
    %dma_start3A_81 = arith.constant 128 : i32
    %dma_start3A_82 = tpu.memref_slice %arg6[%dma_start3A_81] : memref<256xi32, #tpu.memory_space<vmem>> -> memref<128xi32, #tpu.memory_space<vmem>>
    %dma_start3A_83 = arith.constant 0 : i32
    %dma_start3A_84 = arith.constant 0 : i32
    %dma_start3A_85 = tpu.memref_slice %arg3[%dma_start3A_83, %dma_start3A_84] : memref<1000000x64xf32, #tpu.memory_space<hbm>> -> memref<1000000x64xf32, #tpu.memory_space<hbm>>
    tpu.enqueue_indirect_dma source(%dma_start3A_85 : memref<1000000x64xf32, #tpu.memory_space<hbm>>) target(%dma_start3A_80 : memref<128x64xf32, #tpu.memory_space<vmem>>) offsets(%dma_start3A_82 : memref<128xi32, #tpu.memory_space<vmem>>) semaphore(%arg14 : memref<!tpu.dma_semaphore, #tpu.memory_space<semaphore_mem>>)
    %scan3A = arith.constant 0 : i32
    %scan3A_86 = arith.constant 16 : i32
    %scan3A_87 = arith.addi %scan3A, %scan3A_86 : i32
    %scan3A_88 = arith.constant 1 : i32
    scf.for %scan3A_469 = %scan3A to %scan3A_87 step %scan3A_88  : i32 {
      %mul3A_470 = arith.constant 1 : i32
      %mul3A_471 = arith.muli %scan3A_469, %mul3A_470 : i32
      %add3A_472 = arith.constant 0 : i32
      %add3A_473 = arith.addi %add3A_472, %mul3A_471 : i32
      %mul3A_474 = arith.constant 16 : i32
      %mul3A_475 = arith.muli %add3A_473, %mul3A_474 : i32
      %add3A_476 = vector.broadcast %mul3A_475 : i32 to vector<16xi32>
      %add3A_477 = arith.addi %add3A_476, %iota3A : vector<16xi32>
      %jit3A = arith.constant 8 : i32
      %div3A = arith.divsi %add3A_473, %jit3A : i32
      %sign3A = arith.constant 0 : i32
      %sign3A_478 = arith.cmpi sgt, %add3A_473, %sign3A : i32
      %sign3A_479 = arith.extui %sign3A_478 : i1 to i32
      %sign3A_480 = arith.constant 0 : i32
      %sign3A_481 = arith.cmpi slt, %add3A_473, %sign3A_480 : i32
      %sign3A_482 = arith.extui %sign3A_481 : i1 to i32
      %sign3A_483 = arith.subi %sign3A_479, %sign3A_482 : i32
      %sign3A_484 = arith.constant 0 : i32
      %sign3A_485 = arith.cmpi sgt, %jit3A, %sign3A_484 : i32
      %sign3A_486 = arith.extui %sign3A_485 : i1 to i32
      %sign3A_487 = arith.constant 0 : i32
      %sign3A_488 = arith.cmpi slt, %jit3A, %sign3A_487 : i32
      %sign3A_489 = arith.extui %sign3A_488 : i1 to i32
      %sign3A_490 = arith.subi %sign3A_486, %sign3A_489 : i32
      %ne3A = arith.cmpi ne, %sign3A_483, %sign3A_490 : i32
      %rem3A = arith.remsi %add3A_473, %jit3A : i32
      %ne3A_491 = arith.constant 0 : i32
      %ne3A_492 = arith.cmpi ne, %rem3A, %ne3A_491 : i32
      %and3A = arith.andi %ne3A, %ne3A_492 : i1
      %sub3A = arith.constant 1 : i32
      %sub3A_493 = arith.subi %div3A, %sub3A : i32
      %select_n3A = arith.select %and3A, %sub3A_493, %div3A : i32
      %jit3A_494 = arith.constant 8 : i32
      %eq3A = arith.constant 0 : i32
      %eq3A_495 = arith.cmpi eq, %jit3A_494, %eq3A : i32
      %jit3A_496 = arith.constant 1 : i32
      %select_n3A_497 = arith.select %eq3A_495, %jit3A_496, %jit3A_494 : i32
      %rem3A_498 = arith.remsi %add3A_473, %select_n3A_497 : i32
      %ne3A_499 = arith.constant 0 : i32
      %ne3A_500 = arith.cmpi ne, %rem3A_498, %ne3A_499 : i32
      %lt3A = arith.constant 0 : i32
      %lt3A_501 = arith.cmpi slt, %rem3A_498, %lt3A : i32
      %lt3A_502 = arith.constant 0 : i32
      %lt3A_503 = arith.cmpi slt, %select_n3A_497, %lt3A_502 : i32
      %ne3A_504 = arith.xori %lt3A_501, %lt3A_503 : i1
      %and3A_505 = arith.andi %ne3A_504, %ne3A_500 : i1
      %add3A_506 = arith.addi %rem3A_498, %select_n3A_497 : i32
      %select_n3A_507 = arith.select %and3A_505, %add3A_506, %rem3A_498 : i32
      %mul3A_508 = arith.constant 16 : i32
      %mul3A_509 = arith.muli %select_n3A_507, %mul3A_508 : i32
      %broadcast_in_dim3A = arith.constant 0 : i32
      %broadcast_in_dim3A_510 = vector.broadcast %broadcast_in_dim3A : i32 to vector<16xi32>
      %parallel_loop3A = arith.constant 0 : i32
      %parallel_loop3A_511 = arith.constant 64 : i32
      %parallel_loop3A_512 = arith.constant 1 : i32
      %parallel_loop3A_513 = scf.for %parallel_loop3A_514 = %parallel_loop3A to %parallel_loop3A_511 step %parallel_loop3A_512 iter_args(%parallel_loop3A_515 = %broadcast_in_dim3A_510) -> (vector<16xi32>)  : i32 {
        %parallel_loop3A_516 = tpu.vector_load_idx %arg7[%add3A_477, %parallel_loop3A_515] : memref<256x64xf32, #tpu.memory_space<vmem>>[vector<16xi32>, vector<16xi32>], vector<16xf32>,
        %parallel_loop3A_517 = arith.constant 8 : i32
        %parallel_loop3A_518 = arith.divsi %parallel_loop3A_514, %parallel_loop3A_517 : i32
        %parallel_loop3A_519 = arith.constant 0 : i32
        %parallel_loop3A_520 = arith.cmpi sgt, %parallel_loop3A_514, %parallel_loop3A_519 : i32
        %parallel_loop3A_521 = arith.extui %parallel_loop3A_520 : i1 to i32
        %parallel_loop3A_522 = arith.constant 0 : i32
        %parallel_loop3A_523 = arith.cmpi slt, %parallel_loop3A_514, %parallel_loop3A_522 : i32
        %parallel_loop3A_524 = arith.extui %parallel_loop3A_523 : i1 to i32
        %parallel_loop3A_525 = arith.subi %parallel_loop3A_521, %parallel_loop3A_524 : i32
        %parallel_loop3A_526 = arith.constant 0 : i32
        %parallel_loop3A_527 = arith.cmpi sgt, %parallel_loop3A_517, %parallel_loop3A_526 : i32
        %parallel_loop3A_528 = arith.extui %parallel_loop3A_527 : i1 to i32
        %parallel_loop3A_529 = arith.constant 0 : i32
        %parallel_loop3A_530 = arith.cmpi slt, %parallel_loop3A_517, %parallel_loop3A_529 : i32
        %parallel_loop3A_531 = arith.extui %parallel_loop3A_530 : i1 to i32
        %parallel_loop3A_532 = arith.subi %parallel_loop3A_528, %parallel_loop3A_531 : i32
        %parallel_loop3A_533 = arith.cmpi ne, %parallel_loop3A_525, %parallel_loop3A_532 : i32
        %parallel_loop3A_534 = arith.remsi %parallel_loop3A_514, %parallel_loop3A_517 : i32
        %parallel_loop3A_535 = arith.constant 0 : i32
        %parallel_loop3A_536 = arith.cmpi ne, %parallel_loop3A_534, %parallel_loop3A_535 : i32
        %parallel_loop3A_537 = arith.andi %parallel_loop3A_533, %parallel_loop3A_536 : i1
        %parallel_loop3A_538 = arith.constant 1 : i32
        %parallel_loop3A_539 = arith.subi %parallel_loop3A_518, %parallel_loop3A_538 : i32
        %parallel_loop3A_540 = arith.select %parallel_loop3A_537, %parallel_loop3A_539, %parallel_loop3A_518 : i32
        %parallel_loop3A_541 = arith.constant 8 : i32
        %parallel_loop3A_542 = arith.constant 0 : i32
        %parallel_loop3A_543 = arith.cmpi eq, %parallel_loop3A_541, %parallel_loop3A_542 : i32
        %parallel_loop3A_544 = arith.constant 1 : i32
        %parallel_loop3A_545 = arith.select %parallel_loop3A_543, %parallel_loop3A_544, %parallel_loop3A_541 : i32
        %parallel_loop3A_546 = arith.remsi %parallel_loop3A_514, %parallel_loop3A_545 : i32
        %parallel_loop3A_547 = arith.constant 0 : i32
        %parallel_loop3A_548 = arith.cmpi ne, %parallel_loop3A_546, %parallel_loop3A_547 : i32
        %parallel_loop3A_549 = arith.constant 0 : i32
        %parallel_loop3A_550 = arith.cmpi slt, %parallel_loop3A_546, %parallel_loop3A_549 : i32
        %parallel_loop3A_551 = arith.constant 0 : i32
        %parallel_loop3A_552 = arith.cmpi slt, %parallel_loop3A_545, %parallel_loop3A_551 : i32
        %parallel_loop3A_553 = arith.xori %parallel_loop3A_550, %parallel_loop3A_552 : i1
        %parallel_loop3A_554 = arith.andi %parallel_loop3A_553, %parallel_loop3A_548 : i1
        %parallel_loop3A_555 = arith.addi %parallel_loop3A_546, %parallel_loop3A_545 : i32
        %parallel_loop3A_556 = arith.select %parallel_loop3A_554, %parallel_loop3A_555, %parallel_loop3A_546 : i32
        %parallel_loop3A_557 = arith.index_cast %parallel_loop3A_540 : i32 to index
        %parallel_loop3A_558 = arith.index_cast %select_n3A : i32 to index
        %parallel_loop3A_559 = arith.index_cast %parallel_loop3A_556 : i32 to index
        %parallel_loop3A_560 = arith.index_cast %mul3A_509 : i32 to index
        %parallel_loop3A_561 = tpu.vector_load %arg9[%parallel_loop3A_557, %parallel_loop3A_558, %parallel_loop3A_559, %parallel_loop3A_560] {strides = array<i32>} : memref<8x2x8x128xf32, #tpu.memory_space<vmem>>, vector<16xf32>,
        tpu.vector_store %arg9[%parallel_loop3A_557, %parallel_loop3A_558, %parallel_loop3A_559, %parallel_loop3A_560], %parallel_loop3A_516 {strides = array<i32>} : memref<8x2x8x128xf32, #tpu.memory_space<vmem>>, vector<16xf32>,
        %parallel_loop3A_562 = arith.constant 1 : i32
        %parallel_loop3A_563 = vector.broadcast %parallel_loop3A_562 : i32 to vector<16xi32>
        %parallel_loop3A_564 = arith.addi %parallel_loop3A_515, %parallel_loop3A_563 : vector<16xi32>
        scf.yield %parallel_loop3A_564 : vector<16xi32>
      } {sc.loop_unroll_factor = 8 : i64, sc.parallel_access}
    }
    %scan3A_89 = arith.constant 16 : i32
    %add3A_90 = arith.constant 0 : i32
    %add3A_91 = arith.addi %mul3A_4, %add3A_90 : i32
    %dma_start3A_92 = arith.constant 0 : i32
    %dma_start3A_93 = arith.constant 0 : i32
    %dma_start3A_94 = arith.constant 0 : i32
    %dma_start3A_95 = arith.constant 0 : i32
    %dma_start3A_96 = tpu.memref_slice %arg4[%dma_start3A_92, %dma_start3A_93, %add3A_91, %dma_start3A_94, %dma_start3A_95] : memref<200x8x128x8x128xf32, #tpu.memory_space<hbm>> -> memref<1x8x2x8x128xf32, #tpu.memory_space<hbm>>
    %dma_start3A_97 = tpu.memref_squeeze %dma_start3A_96 : memref<1x8x2x8x128xf32, #tpu.memory_space<hbm>> -> memref<8x2x8x128xf32, #tpu.memory_space<hbm>>
    %dma_start3A_98 = arith.constant 0 : i32
    %dma_start3A_99 = arith.constant 0 : i32
    %dma_start3A_100 = arith.constant 0 : i32
    %dma_start3A_101 = tpu.memref_slice %arg4[%dma_start3A_92, %dma_start3A_98, %add3A_91, %dma_start3A_99, %dma_start3A_100] : memref<200x8x128x8x128xf32, #tpu.memory_space<hbm>> -> memref<1x8x2x8x128xf32, #tpu.memory_space<hbm>>
    %dma_start3A_102 = tpu.memref_squeeze %dma_start3A_101 : memref<1x8x2x8x128xf32, #tpu.memory_space<hbm>> -> memref<8x2x8x128xf32, #tpu.memory_space<hbm>>
    tpu.enqueue_dma source(%arg9 : memref<8x2x8x128xf32, #tpu.memory_space<vmem>>) target(%dma_start3A_102 : memref<8x2x8x128xf32, #tpu.memory_space<hbm>>) target_semaphore(%arg15 : memref<!tpu.dma_semaphore, #tpu.memory_space<semaphore_mem>>)
    %dma_wait3A_103 = arith.constant 0 : i32
    %dma_wait3A_104 = arith.constant 0 : i32
    %dma_wait3A_105 = tpu.memref_slice %arg8[%dma_wait3A_103, %dma_wait3A_104] : memref<256x64xf32, #tpu.memory_space<vmem>> -> memref<128x64xf32, #tpu.memory_space<vmem>>
    %dma_wait3A_106 = arith.constant 0 : i32
    %dma_wait3A_107 = tpu.memref_slice %arg6[%dma_wait3A_106] : memref<256xi32, #tpu.memory_space<vmem>> -> memref<128xi32, #tpu.memory_space<vmem>>
    %dma_wait3A_108 = arith.constant 0 : i32
    %dma_wait3A_109 = arith.constant 0 : i32
    %dma_wait3A_110 = tpu.memref_slice %arg3[%dma_wait3A_108, %dma_wait3A_109] : memref<1000000x64xf32, #tpu.memory_space<hbm>> -> memref<1000000x64xf32, #tpu.memory_space<hbm>>
    tpu.wait_indirect_dma semaphore(%arg14 : memref<!tpu.dma_semaphore, #tpu.memory_space<semaphore_mem>>) src(%dma_wait3A_110 : memref<1000000x64xf32, #tpu.memory_space<hbm>>) dst(%dma_wait3A_105 : memref<128x64xf32, #tpu.memory_space<vmem>>)
    %dma_wait3A_111 = arith.constant 128 : i32
    %dma_wait3A_112 = arith.constant 0 : i32
    %dma_wait3A_113 = tpu.memref_slice %arg8[%dma_wait3A_111, %dma_wait3A_112] : memref<256x64xf32, #tpu.memory_space<vmem>> -> memref<128x64xf32, #tpu.memory_space<vmem>>
    %dma_wait3A_114 = arith.constant 128 : i32
    %dma_wait3A_115 = tpu.memref_slice %arg6[%dma_wait3A_114] : memref<256xi32, #tpu.memory_space<vmem>> -> memref<128xi32, #tpu.memory_space<vmem>>
    %dma_wait3A_116 = arith.constant 0 : i32
    %dma_wait3A_117 = arith.constant 0 : i32
    %dma_wait3A_118 = tpu.memref_slice %arg3[%dma_wait3A_116, %dma_wait3A_117] : memref<1000000x64xf32, #tpu.memory_space<hbm>> -> memref<1000000x64xf32, #tpu.memory_space<hbm>>
    tpu.wait_indirect_dma semaphore(%arg14 : memref<!tpu.dma_semaphore, #tpu.memory_space<semaphore_mem>>) src(%dma_wait3A_118 : memref<1000000x64xf32, #tpu.memory_space<hbm>>) dst(%dma_wait3A_113 : memref<128x64xf32, #tpu.memory_space<vmem>>)
    %add3A_119 = arith.constant 256 : i32
    %add3A_120 = arith.addi %mul3A_2, %add3A_119 : i32
    %dma_start3A_121 = arith.constant 1 : i32
    %dma_start3A_122 = tpu.memref_slice %arg2[%dma_start3A_121, %add3A_120] : memref<200x16384xi32, #tpu.memory_space<hbm>> -> memref<1x256xi32, #tpu.memory_space<hbm>>
    %dma_start3A_123 = tpu.memref_squeeze %dma_start3A_122 : memref<1x256xi32, #tpu.memory_space<hbm>> -> memref<256xi32, #tpu.memory_space<hbm>>
    %dma_start3A_124 = tpu.memref_slice %arg2[%dma_start3A_121, %add3A_120] : memref<200x16384xi32, #tpu.memory_space<hbm>> -> memref<1x256xi32, #tpu.memory_space<hbm>>
    %dma_start3A_125 = tpu.memref_squeeze %dma_start3A_124 : memref<1x256xi32, #tpu.memory_space<hbm>> -> memref<256xi32, #tpu.memory_space<hbm>>
    tpu.enqueue_dma source(%dma_start3A_125 : memref<256xi32, #tpu.memory_space<hbm>>) target(%arg6 : memref<256xi32, #tpu.memory_space<vmem>>) target_semaphore(%arg12 : memref<!tpu.dma_semaphore, #tpu.memory_space<semaphore_mem>>)
    %dma_wait3A_126 = arith.constant 0 : i32
    %dma_wait3A_127 = arith.constant 0 : i32
    %dma_wait3A_128 = tpu.memref_slice %arg2[%dma_wait3A_126, %dma_wait3A_127] : memref<200x16384xi32, #tpu.memory_space<hbm>> -> memref<1x256xi32, #tpu.memory_space<hbm>>
    %dma_wait3A_129 = tpu.memref_squeeze %dma_wait3A_128 : memref<1x256xi32, #tpu.memory_space<hbm>> -> memref<256xi32, #tpu.memory_space<hbm>>
    %dma_wait3A_130 = arith.constant 0 : i32
    %dma_wait3A_131 = tpu.memref_slice %arg2[%dma_wait3A_126, %dma_wait3A_130] : memref<200x16384xi32, #tpu.memory_space<hbm>> -> memref<1x256xi32, #tpu.memory_space<hbm>>
    %dma_wait3A_132 = tpu.memref_squeeze %dma_wait3A_131 : memref<1x256xi32, #tpu.memory_space<hbm>> -> memref<256xi32, #tpu.memory_space<hbm>>
    tpu.wait_dma2 semaphore(%arg11 : memref<!tpu.dma_semaphore, #tpu.memory_space<semaphore_mem>>) src(%dma_wait3A_132 : memref<256xi32, #tpu.memory_space<hbm>>) dst(%arg5 : memref<256xi32, #tpu.memory_space<vmem>>)
    %dma_start3A_133 = arith.constant 0 : i32
    %dma_start3A_134 = arith.constant 0 : i32
    %dma_start3A_135 = tpu.memref_slice %arg7[%dma_start3A_133, %dma_start3A_134] : memref<256x64xf32, #tpu.memory_space<vmem>> -> memref<128x64xf32, #tpu.memory_space<vmem>>
    %dma_start3A_136 = arith.constant 0 : i32
    %dma_start3A_137 = tpu.memref_slice %arg5[%dma_start3A_136] : memref<256xi32, #tpu.memory_space<vmem>> -> memref<128xi32, #tpu.memory_space<vmem>>
    %dma_start3A_138 = arith.constant 0 : i32
    %dma_start3A_139 = arith.constant 0 : i32
    %dma_start3A_140 = tpu.memref_slice %arg3[%dma_start3A_138, %dma_start3A_139] : memref<1000000x64xf32, #tpu.memory_space<hbm>> -> memref<1000000x64xf32, #tpu.memory_space<hbm>>
    tpu.enqueue_indirect_dma source(%dma_start3A_140 : memref<1000000x64xf32, #tpu.memory_space<hbm>>) target(%dma_start3A_135 : memref<128x64xf32, #tpu.memory_space<vmem>>) offsets(%dma_start3A_137 : memref<128xi32, #tpu.memory_space<vmem>>) semaphore(%arg13 : memref<!tpu.dma_semaphore, #tpu.memory_space<semaphore_mem>>)
    %dma_start3A_141 = arith.constant 128 : i32
    %dma_start3A_142 = arith.constant 0 : i32
    %dma_start3A_143 = tpu.memref_slice %arg7[%dma_start3A_141, %dma_start3A_142] : memref<256x64xf32, #tpu.memory_space<vmem>> -> memref<128x64xf32, #tpu.memory_space<vmem>>
    %dma_start3A_144 = arith.constant 128 : i32
    %dma_start3A_145 = tpu.memref_slice %arg5[%dma_start3A_144] : memref<256xi32, #tpu.memory_space<vmem>> -> memref<128xi32, #tpu.memory_space<vmem>>
    %dma_start3A_146 = arith.constant 0 : i32
    %dma_start3A_147 = arith.constant 0 : i32
    %dma_start3A_148 = tpu.memref_slice %arg3[%dma_start3A_146, %dma_start3A_147] : memref<1000000x64xf32, #tpu.memory_space<hbm>> -> memref<1000000x64xf32, #tpu.memory_space<hbm>>
    tpu.enqueue_indirect_dma source(%dma_start3A_148 : memref<1000000x64xf32, #tpu.memory_space<hbm>>) target(%dma_start3A_143 : memref<128x64xf32, #tpu.memory_space<vmem>>) offsets(%dma_start3A_145 : memref<128xi32, #tpu.memory_space<vmem>>) semaphore(%arg13 : memref<!tpu.dma_semaphore, #tpu.memory_space<semaphore_mem>>)
    %scan3A_149 = arith.constant 0 : i32
    %scan3A_150 = arith.constant 16 : i32
    %scan3A_151 = arith.addi %scan3A_149, %scan3A_150 : i32
    %scan3A_152 = arith.constant 1 : i32
    scf.for %scan3A_469 = %scan3A_149 to %scan3A_151 step %scan3A_152  : i32 {
      %mul3A_470 = arith.constant 1 : i32
      %mul3A_471 = arith.muli %scan3A_469, %mul3A_470 : i32
      %add3A_472 = arith.constant 0 : i32
      %add3A_473 = arith.addi %add3A_472, %mul3A_471 : i32
      %mul3A_474 = arith.constant 16 : i32
      %mul3A_475 = arith.muli %add3A_473, %mul3A_474 : i32
      %add3A_476 = vector.broadcast %mul3A_475 : i32 to vector<16xi32>
      %add3A_477 = arith.addi %add3A_476, %iota3A : vector<16xi32>
      %jit3A = arith.constant 8 : i32
      %div3A = arith.divsi %add3A_473, %jit3A : i32
      %sign3A = arith.constant 0 : i32
      %sign3A_478 = arith.cmpi sgt, %add3A_473, %sign3A : i32
      %sign3A_479 = arith.extui %sign3A_478 : i1 to i32
      %sign3A_480 = arith.constant 0 : i32
      %sign3A_481 = arith.cmpi slt, %add3A_473, %sign3A_480 : i32
      %sign3A_482 = arith.extui %sign3A_481 : i1 to i32
      %sign3A_483 = arith.subi %sign3A_479, %sign3A_482 : i32
      %sign3A_484 = arith.constant 0 : i32
      %sign3A_485 = arith.cmpi sgt, %jit3A, %sign3A_484 : i32
      %sign3A_486 = arith.extui %sign3A_485 : i1 to i32
      %sign3A_487 = arith.constant 0 : i32
      %sign3A_488 = arith.cmpi slt, %jit3A, %sign3A_487 : i32
      %sign3A_489 = arith.extui %sign3A_488 : i1 to i32
      %sign3A_490 = arith.subi %sign3A_486, %sign3A_489 : i32
      %ne3A = arith.cmpi ne, %sign3A_483, %sign3A_490 : i32
      %rem3A = arith.remsi %add3A_473, %jit3A : i32
      %ne3A_491 = arith.constant 0 : i32
      %ne3A_492 = arith.cmpi ne, %rem3A, %ne3A_491 : i32
      %and3A = arith.andi %ne3A, %ne3A_492 : i1
      %sub3A = arith.constant 1 : i32
      %sub3A_493 = arith.subi %div3A, %sub3A : i32
      %select_n3A = arith.select %and3A, %sub3A_493, %div3A : i32
      %jit3A_494 = arith.constant 8 : i32
      %eq3A = arith.constant 0 : i32
      %eq3A_495 = arith.cmpi eq, %jit3A_494, %eq3A : i32
      %jit3A_496 = arith.constant 1 : i32
      %select_n3A_497 = arith.select %eq3A_495, %jit3A_496, %jit3A_494 : i32
      %rem3A_498 = arith.remsi %add3A_473, %select_n3A_497 : i32
      %ne3A_499 = arith.constant 0 : i32
      %ne3A_500 = arith.cmpi ne, %rem3A_498, %ne3A_499 : i32
      %lt3A = arith.constant 0 : i32
      %lt3A_501 = arith.cmpi slt, %rem3A_498, %lt3A : i32
      %lt3A_502 = arith.constant 0 : i32
      %lt3A_503 = arith.cmpi slt, %select_n3A_497, %lt3A_502 : i32
      %ne3A_504 = arith.xori %lt3A_501, %lt3A_503 : i1
      %and3A_505 = arith.andi %ne3A_504, %ne3A_500 : i1
      %add3A_506 = arith.addi %rem3A_498, %select_n3A_497 : i32
      %select_n3A_507 = arith.select %and3A_505, %add3A_506, %rem3A_498 : i32
      %mul3A_508 = arith.constant 16 : i32
      %mul3A_509 = arith.muli %select_n3A_507, %mul3A_508 : i32
      %broadcast_in_dim3A = arith.constant 0 : i32
      %broadcast_in_dim3A_510 = vector.broadcast %broadcast_in_dim3A : i32 to vector<16xi32>
      %parallel_loop3A = arith.constant 0 : i32
      %parallel_loop3A_511 = arith.constant 64 : i32
      %parallel_loop3A_512 = arith.constant 1 : i32
      %parallel_loop3A_513 = scf.for %parallel_loop3A_514 = %parallel_loop3A to %parallel_loop3A_511 step %parallel_loop3A_512 iter_args(%parallel_loop3A_515 = %broadcast_in_dim3A_510) -> (vector<16xi32>)  : i32 {
        %parallel_loop3A_516 = tpu.vector_load_idx %arg8[%add3A_477, %parallel_loop3A_515] : memref<256x64xf32, #tpu.memory_space<vmem>>[vector<16xi32>, vector<16xi32>], vector<16xf32>,
        %parallel_loop3A_517 = arith.constant 8 : i32
        %parallel_loop3A_518 = arith.divsi %parallel_loop3A_514, %parallel_loop3A_517 : i32
        %parallel_loop3A_519 = arith.constant 0 : i32
        %parallel_loop3A_520 = arith.cmpi sgt, %parallel_loop3A_514, %parallel_loop3A_519 : i32
        %parallel_loop3A_521 = arith.extui %parallel_loop3A_520 : i1 to i32
        %parallel_loop3A_522 = arith.constant 0 : i32
        %parallel_loop3A_523 = arith.cmpi slt, %parallel_loop3A_514, %parallel_loop3A_522 : i32
        %parallel_loop3A_524 = arith.extui %parallel_loop3A_523 : i1 to i32
        %parallel_loop3A_525 = arith.subi %parallel_loop3A_521, %parallel_loop3A_524 : i32
        %parallel_loop3A_526 = arith.constant 0 : i32
        %parallel_loop3A_527 = arith.cmpi sgt, %parallel_loop3A_517, %parallel_loop3A_526 : i32
        %parallel_loop3A_528 = arith.extui %parallel_loop3A_527 : i1 to i32
        %parallel_loop3A_529 = arith.constant 0 : i32
        %parallel_loop3A_530 = arith.cmpi slt, %parallel_loop3A_517, %parallel_loop3A_529 : i32
        %parallel_loop3A_531 = arith.extui %parallel_loop3A_530 : i1 to i32
        %parallel_loop3A_532 = arith.subi %parallel_loop3A_528, %parallel_loop3A_531 : i32
        %parallel_loop3A_533 = arith.cmpi ne, %parallel_loop3A_525, %parallel_loop3A_532 : i32
        %parallel_loop3A_534 = arith.remsi %parallel_loop3A_514, %parallel_loop3A_517 : i32
        %parallel_loop3A_535 = arith.constant 0 : i32
        %parallel_loop3A_536 = arith.cmpi ne, %parallel_loop3A_534, %parallel_loop3A_535 : i32
        %parallel_loop3A_537 = arith.andi %parallel_loop3A_533, %parallel_loop3A_536 : i1
        %parallel_loop3A_538 = arith.constant 1 : i32
        %parallel_loop3A_539 = arith.subi %parallel_loop3A_518, %parallel_loop3A_538 : i32
        %parallel_loop3A_540 = arith.select %parallel_loop3A_537, %parallel_loop3A_539, %parallel_loop3A_518 : i32
        %parallel_loop3A_541 = arith.constant 8 : i32
        %parallel_loop3A_542 = arith.constant 0 : i32
        %parallel_loop3A_543 = arith.cmpi eq, %parallel_loop3A_541, %parallel_loop3A_542 : i32
        %parallel_loop3A_544 = arith.constant 1 : i32
        %parallel_loop3A_545 = arith.select %parallel_loop3A_543, %parallel_loop3A_544, %parallel_loop3A_541 : i32
        %parallel_loop3A_546 = arith.remsi %parallel_loop3A_514, %parallel_loop3A_545 : i32
        %parallel_loop3A_547 = arith.constant 0 : i32
        %parallel_loop3A_548 = arith.cmpi ne, %parallel_loop3A_546, %parallel_loop3A_547 : i32
        %parallel_loop3A_549 = arith.constant 0 : i32
        %parallel_loop3A_550 = arith.cmpi slt, %parallel_loop3A_546, %parallel_loop3A_549 : i32
        %parallel_loop3A_551 = arith.constant 0 : i32
        %parallel_loop3A_552 = arith.cmpi slt, %parallel_loop3A_545, %parallel_loop3A_551 : i32
        %parallel_loop3A_553 = arith.xori %parallel_loop3A_550, %parallel_loop3A_552 : i1
        %parallel_loop3A_554 = arith.andi %parallel_loop3A_553, %parallel_loop3A_548 : i1
        %parallel_loop3A_555 = arith.addi %parallel_loop3A_546, %parallel_loop3A_545 : i32
        %parallel_loop3A_556 = arith.select %parallel_loop3A_554, %parallel_loop3A_555, %parallel_loop3A_546 : i32
        %parallel_loop3A_557 = arith.index_cast %parallel_loop3A_540 : i32 to index
        %parallel_loop3A_558 = arith.index_cast %select_n3A : i32 to index
        %parallel_loop3A_559 = arith.index_cast %parallel_loop3A_556 : i32 to index
        %parallel_loop3A_560 = arith.index_cast %mul3A_509 : i32 to index
        %parallel_loop3A_561 = tpu.vector_load %arg10[%parallel_loop3A_557, %parallel_loop3A_558, %parallel_loop3A_559, %parallel_loop3A_560] {strides = array<i32>} : memref<8x2x8x128xf32, #tpu.memory_space<vmem>>, vector<16xf32>,
        tpu.vector_store %arg10[%parallel_loop3A_557, %parallel_loop3A_558, %parallel_loop3A_559, %parallel_loop3A_560], %parallel_loop3A_516 {strides = array<i32>} : memref<8x2x8x128xf32, #tpu.memory_space<vmem>>, vector<16xf32>,
        %parallel_loop3A_562 = arith.constant 1 : i32
        %parallel_loop3A_563 = vector.broadcast %parallel_loop3A_562 : i32 to vector<16xi32>
        %parallel_loop3A_564 = arith.addi %parallel_loop3A_515, %parallel_loop3A_563 : vector<16xi32>
        scf.yield %parallel_loop3A_564 : vector<16xi32>
      } {sc.loop_unroll_factor = 8 : i64, sc.parallel_access}
    }
    %scan3A_153 = arith.constant 16 : i32
    %add3A_154 = arith.constant 2 : i32
    %add3A_155 = arith.addi %mul3A_4, %add3A_154 : i32
    %dma_start3A_156 = arith.constant 0 : i32
    %dma_start3A_157 = arith.constant 0 : i32
    %dma_start3A_158 = arith.constant 0 : i32
    %dma_start3A_159 = arith.constant 0 : i32
    %dma_start3A_160 = tpu.memref_slice %arg4[%dma_start3A_156, %dma_start3A_157, %add3A_155, %dma_start3A_158, %dma_start3A_159] : memref<200x8x128x8x128xf32, #tpu.memory_space<hbm>> -> memref<1x8x2x8x128xf32, #tpu.memory_space<hbm>>
    %dma_start3A_161 = tpu.memref_squeeze %dma_start3A_160 : memref<1x8x2x8x128xf32, #tpu.memory_space<hbm>> -> memref<8x2x8x128xf32, #tpu.memory_space<hbm>>
    %dma_start3A_162 = arith.constant 0 : i32
    %dma_start3A_163 = arith.constant 0 : i32
    %dma_start3A_164 = arith.constant 0 : i32
    %dma_start3A_165 = tpu.memref_slice %arg4[%dma_start3A_156, %dma_start3A_162, %add3A_155, %dma_start3A_163, %dma_start3A_164] : memref<200x8x128x8x128xf32, #tpu.memory_space<hbm>> -> memref<1x8x2x8x128xf32, #tpu.memory_space<hbm>>
    %dma_start3A_166 = tpu.memref_squeeze %dma_start3A_165 : memref<1x8x2x8x128xf32, #tpu.memory_space<hbm>> -> memref<8x2x8x128xf32, #tpu.memory_space<hbm>>
    tpu.enqueue_dma source(%arg10 : memref<8x2x8x128xf32, #tpu.memory_space<vmem>>) target(%dma_start3A_166 : memref<8x2x8x128xf32, #tpu.memory_space<hbm>>) target_semaphore(%arg16 : memref<!tpu.dma_semaphore, #tpu.memory_space<semaphore_mem>>)
    %dma_wait3A_167 = arith.constant 0 : i32
    %dma_wait3A_168 = arith.constant 0 : i32
    %dma_wait3A_169 = tpu.memref_slice %arg7[%dma_wait3A_167, %dma_wait3A_168] : memref<256x64xf32, #tpu.memory_space<vmem>> -> memref<128x64xf32, #tpu.memory_space<vmem>>
    %dma_wait3A_170 = arith.constant 0 : i32
    %dma_wait3A_171 = tpu.memref_slice %arg5[%dma_wait3A_170] : memref<256xi32, #tpu.memory_space<vmem>> -> memref<128xi32, #tpu.memory_space<vmem>>
    %dma_wait3A_172 = arith.constant 0 : i32
    %dma_wait3A_173 = arith.constant 0 : i32
    %dma_wait3A_174 = tpu.memref_slice %arg3[%dma_wait3A_172, %dma_wait3A_173] : memref<1000000x64xf32, #tpu.memory_space<hbm>> -> memref<1000000x64xf32, #tpu.memory_space<hbm>>
    tpu.wait_indirect_dma semaphore(%arg13 : memref<!tpu.dma_semaphore, #tpu.memory_space<semaphore_mem>>) src(%dma_wait3A_174 : memref<1000000x64xf32, #tpu.memory_space<hbm>>) dst(%dma_wait3A_169 : memref<128x64xf32, #tpu.memory_space<vmem>>)
    %dma_wait3A_175 = arith.constant 128 : i32
    %dma_wait3A_176 = arith.constant 0 : i32
    %dma_wait3A_177 = tpu.memref_slice %arg7[%dma_wait3A_175, %dma_wait3A_176] : memref<256x64xf32, #tpu.memory_space<vmem>> -> memref<128x64xf32, #tpu.memory_space<vmem>>
    %dma_wait3A_178 = arith.constant 128 : i32
    %dma_wait3A_179 = tpu.memref_slice %arg5[%dma_wait3A_178] : memref<256xi32, #tpu.memory_space<vmem>> -> memref<128xi32, #tpu.memory_space<vmem>>
    %dma_wait3A_180 = arith.constant 0 : i32
    %dma_wait3A_181 = arith.constant 0 : i32
    %dma_wait3A_182 = tpu.memref_slice %arg3[%dma_wait3A_180, %dma_wait3A_181] : memref<1000000x64xf32, #tpu.memory_space<hbm>> -> memref<1000000x64xf32, #tpu.memory_space<hbm>>
    tpu.wait_indirect_dma semaphore(%arg13 : memref<!tpu.dma_semaphore, #tpu.memory_space<semaphore_mem>>) src(%dma_wait3A_182 : memref<1000000x64xf32, #tpu.memory_space<hbm>>) dst(%dma_wait3A_177 : memref<128x64xf32, #tpu.memory_space<vmem>>)
    %add3A_183 = arith.constant 0 : i32
    %add3A_184 = arith.addi %mul3A_2, %add3A_183 : i32
    %dma_start3A_185 = arith.constant 2 : i32
    %dma_start3A_186 = tpu.memref_slice %arg2[%dma_start3A_185, %add3A_184] : memref<200x16384xi32, #tpu.memory_space<hbm>> -> memref<1x256xi32, #tpu.memory_space<hbm>>
    %dma_start3A_187 = tpu.memref_squeeze %dma_start3A_186 : memref<1x256xi32, #tpu.memory_space<hbm>> -> memref<256xi32, #tpu.memory_space<hbm>>
    %dma_start3A_188 = tpu.memref_slice %arg2[%dma_start3A_185, %add3A_184] : memref<200x16384xi32, #tpu.memory_space<hbm>> -> memref<1x256xi32, #tpu.memory_space<hbm>>
    %dma_start3A_189 = tpu.memref_squeeze %dma_start3A_188 : memref<1x256xi32, #tpu.memory_space<hbm>> -> memref<256xi32, #tpu.memory_space<hbm>>
    tpu.enqueue_dma source(%dma_start3A_189 : memref<256xi32, #tpu.memory_space<hbm>>) target(%arg5 : memref<256xi32, #tpu.memory_space<vmem>>) target_semaphore(%arg11 : memref<!tpu.dma_semaphore, #tpu.memory_space<semaphore_mem>>)
    %dma_wait3A_190 = arith.constant 0 : i32
    %dma_wait3A_191 = arith.constant 0 : i32
    %dma_wait3A_192 = tpu.memref_slice %arg2[%dma_wait3A_190, %dma_wait3A_191] : memref<200x16384xi32, #tpu.memory_space<hbm>> -> memref<1x256xi32, #tpu.memory_space<hbm>>
    %dma_wait3A_193 = tpu.memref_squeeze %dma_wait3A_192 : memref<1x256xi32, #tpu.memory_space<hbm>> -> memref<256xi32, #tpu.memory_space<hbm>>
    %dma_wait3A_194 = arith.constant 0 : i32
    %dma_wait3A_195 = tpu.memref_slice %arg2[%dma_wait3A_190, %dma_wait3A_194] : memref<200x16384xi32, #tpu.memory_space<hbm>> -> memref<1x256xi32, #tpu.memory_space<hbm>>
    %dma_wait3A_196 = tpu.memref_squeeze %dma_wait3A_195 : memref<1x256xi32, #tpu.memory_space<hbm>> -> memref<256xi32, #tpu.memory_space<hbm>>
    tpu.wait_dma2 semaphore(%arg12 : memref<!tpu.dma_semaphore, #tpu.memory_space<semaphore_mem>>) src(%dma_wait3A_196 : memref<256xi32, #tpu.memory_space<hbm>>) dst(%arg6 : memref<256xi32, #tpu.memory_space<vmem>>)
    %dma_start3A_197 = arith.constant 0 : i32
    %dma_start3A_198 = arith.constant 0 : i32
    %dma_start3A_199 = tpu.memref_slice %arg8[%dma_start3A_197, %dma_start3A_198] : memref<256x64xf32, #tpu.memory_space<vmem>> -> memref<128x64xf32, #tpu.memory_space<vmem>>
    %dma_start3A_200 = arith.constant 0 : i32
    %dma_start3A_201 = tpu.memref_slice %arg6[%dma_start3A_200] : memref<256xi32, #tpu.memory_space<vmem>> -> memref<128xi32, #tpu.memory_space<vmem>>
    %dma_start3A_202 = arith.constant 0 : i32
    %dma_start3A_203 = arith.constant 0 : i32
    %dma_start3A_204 = tpu.memref_slice %arg3[%dma_start3A_202, %dma_start3A_203] : memref<1000000x64xf32, #tpu.memory_space<hbm>> -> memref<1000000x64xf32, #tpu.memory_space<hbm>>
    tpu.enqueue_indirect_dma source(%dma_start3A_204 : memref<1000000x64xf32, #tpu.memory_space<hbm>>) target(%dma_start3A_199 : memref<128x64xf32, #tpu.memory_space<vmem>>) offsets(%dma_start3A_201 : memref<128xi32, #tpu.memory_space<vmem>>) semaphore(%arg14 : memref<!tpu.dma_semaphore, #tpu.memory_space<semaphore_mem>>)
    %dma_start3A_205 = arith.constant 128 : i32
    %dma_start3A_206 = arith.constant 0 : i32
    %dma_start3A_207 = tpu.memref_slice %arg8[%dma_start3A_205, %dma_start3A_206] : memref<256x64xf32, #tpu.memory_space<vmem>> -> memref<128x64xf32, #tpu.memory_space<vmem>>
    %dma_start3A_208 = arith.constant 128 : i32
    %dma_start3A_209 = tpu.memref_slice %arg6[%dma_start3A_208] : memref<256xi32, #tpu.memory_space<vmem>> -> memref<128xi32, #tpu.memory_space<vmem>>
    %dma_start3A_210 = arith.constant 0 : i32
    %dma_start3A_211 = arith.constant 0 : i32
    %dma_start3A_212 = tpu.memref_slice %arg3[%dma_start3A_210, %dma_start3A_211] : memref<1000000x64xf32, #tpu.memory_space<hbm>> -> memref<1000000x64xf32, #tpu.memory_space<hbm>>
    tpu.enqueue_indirect_dma source(%dma_start3A_212 : memref<1000000x64xf32, #tpu.memory_space<hbm>>) target(%dma_start3A_207 : memref<128x64xf32, #tpu.memory_space<vmem>>) offsets(%dma_start3A_209 : memref<128xi32, #tpu.memory_space<vmem>>) semaphore(%arg14 : memref<!tpu.dma_semaphore, #tpu.memory_space<semaphore_mem>>)
    %dma_wait3A_213 = arith.constant 0 : i32
    %dma_wait3A_214 = arith.constant 0 : i32
    %dma_wait3A_215 = arith.constant 0 : i32
    %dma_wait3A_216 = arith.constant 0 : i32
    %dma_wait3A_217 = arith.constant 0 : i32
    %dma_wait3A_218 = tpu.memref_slice %arg4[%dma_wait3A_213, %dma_wait3A_214, %dma_wait3A_215, %dma_wait3A_216, %dma_wait3A_217] : memref<200x8x128x8x128xf32, #tpu.memory_space<hbm>> -> memref<1x8x2x8x128xf32, #tpu.memory_space<hbm>>
    %dma_wait3A_219 = tpu.memref_squeeze %dma_wait3A_218 : memref<1x8x2x8x128xf32, #tpu.memory_space<hbm>> -> memref<8x2x8x128xf32, #tpu.memory_space<hbm>>
    %dma_wait3A_220 = arith.constant 0 : i32
    %dma_wait3A_221 = arith.constant 0 : i32
    %dma_wait3A_222 = arith.constant 0 : i32
    %dma_wait3A_223 = arith.constant 0 : i32
    %dma_wait3A_224 = tpu.memref_slice %arg4[%dma_wait3A_213, %dma_wait3A_220, %dma_wait3A_221, %dma_wait3A_222, %dma_wait3A_223] : memref<200x8x128x8x128xf32, #tpu.memory_space<hbm>> -> memref<1x8x2x8x128xf32, #tpu.memory_space<hbm>>
    %dma_wait3A_225 = tpu.memref_squeeze %dma_wait3A_224 : memref<1x8x2x8x128xf32, #tpu.memory_space<hbm>> -> memref<8x2x8x128xf32, #tpu.memory_space<hbm>>
    tpu.wait_dma2 semaphore(%arg15 : memref<!tpu.dma_semaphore, #tpu.memory_space<semaphore_mem>>) src(%arg9 : memref<8x2x8x128xf32, #tpu.memory_space<vmem>>) dst(%dma_wait3A_225 : memref<8x2x8x128xf32, #tpu.memory_space<hbm>>)
    %scan3A_226 = arith.constant 0 : i32
    %scan3A_227 = arith.constant 16 : i32
    %scan3A_228 = arith.addi %scan3A_226, %scan3A_227 : i32
    %scan3A_229 = arith.constant 1 : i32
    scf.for %scan3A_469 = %scan3A_226 to %scan3A_228 step %scan3A_229  : i32 {
      %mul3A_470 = arith.constant 1 : i32
      %mul3A_471 = arith.muli %scan3A_469, %mul3A_470 : i32
      %add3A_472 = arith.constant 0 : i32
      %add3A_473 = arith.addi %add3A_472, %mul3A_471 : i32
      %mul3A_474 = arith.constant 16 : i32
      %mul3A_475 = arith.muli %add3A_473, %mul3A_474 : i32
      %add3A_476 = vector.broadcast %mul3A_475 : i32 to vector<16xi32>
      %add3A_477 = arith.addi %add3A_476, %iota3A : vector<16xi32>
      %jit3A = arith.constant 8 : i32
      %div3A = arith.divsi %add3A_473, %jit3A : i32
      %sign3A = arith.constant 0 : i32
      %sign3A_478 = arith.cmpi sgt, %add3A_473, %sign3A : i32
      %sign3A_479 = arith.extui %sign3A_478 : i1 to i32
      %sign3A_480 = arith.constant 0 : i32
      %sign3A_481 = arith.cmpi slt, %add3A_473, %sign3A_480 : i32
      %sign3A_482 = arith.extui %sign3A_481 : i1 to i32
      %sign3A_483 = arith.subi %sign3A_479, %sign3A_482 : i32
      %sign3A_484 = arith.constant 0 : i32
      %sign3A_485 = arith.cmpi sgt, %jit3A, %sign3A_484 : i32
      %sign3A_486 = arith.extui %sign3A_485 : i1 to i32
      %sign3A_487 = arith.constant 0 : i32
      %sign3A_488 = arith.cmpi slt, %jit3A, %sign3A_487 : i32
      %sign3A_489 = arith.extui %sign3A_488 : i1 to i32
      %sign3A_490 = arith.subi %sign3A_486, %sign3A_489 : i32
      %ne3A = arith.cmpi ne, %sign3A_483, %sign3A_490 : i32
      %rem3A = arith.remsi %add3A_473, %jit3A : i32
      %ne3A_491 = arith.constant 0 : i32
      %ne3A_492 = arith.cmpi ne, %rem3A, %ne3A_491 : i32
      %and3A = arith.andi %ne3A, %ne3A_492 : i1
      %sub3A = arith.constant 1 : i32
      %sub3A_493 = arith.subi %div3A, %sub3A : i32
      %select_n3A = arith.select %and3A, %sub3A_493, %div3A : i32
      %jit3A_494 = arith.constant 8 : i32
      %eq3A = arith.constant 0 : i32
      %eq3A_495 = arith.cmpi eq, %jit3A_494, %eq3A : i32
      %jit3A_496 = arith.constant 1 : i32
      %select_n3A_497 = arith.select %eq3A_495, %jit3A_496, %jit3A_494 : i32
      %rem3A_498 = arith.remsi %add3A_473, %select_n3A_497 : i32
      %ne3A_499 = arith.constant 0 : i32
      %ne3A_500 = arith.cmpi ne, %rem3A_498, %ne3A_499 : i32
      %lt3A = arith.constant 0 : i32
      %lt3A_501 = arith.cmpi slt, %rem3A_498, %lt3A : i32
      %lt3A_502 = arith.constant 0 : i32
      %lt3A_503 = arith.cmpi slt, %select_n3A_497, %lt3A_502 : i32
      %ne3A_504 = arith.xori %lt3A_501, %lt3A_503 : i1
      %and3A_505 = arith.andi %ne3A_504, %ne3A_500 : i1
      %add3A_506 = arith.addi %rem3A_498, %select_n3A_497 : i32
      %select_n3A_507 = arith.select %and3A_505, %add3A_506, %rem3A_498 : i32
      %mul3A_508 = arith.constant 16 : i32
      %mul3A_509 = arith.muli %select_n3A_507, %mul3A_508 : i32
      %broadcast_in_dim3A = arith.constant 0 : i32
      %broadcast_in_dim3A_510 = vector.broadcast %broadcast_in_dim3A : i32 to vector<16xi32>
      %parallel_loop3A = arith.constant 0 : i32
      %parallel_loop3A_511 = arith.constant 64 : i32
      %parallel_loop3A_512 = arith.constant 1 : i32
      %parallel_loop3A_513 = scf.for %parallel_loop3A_514 = %parallel_loop3A to %parallel_loop3A_511 step %parallel_loop3A_512 iter_args(%parallel_loop3A_515 = %broadcast_in_dim3A_510) -> (vector<16xi32>)  : i32 {
        %parallel_loop3A_516 = tpu.vector_load_idx %arg7[%add3A_477, %parallel_loop3A_515] : memref<256x64xf32, #tpu.memory_space<vmem>>[vector<16xi32>, vector<16xi32>], vector<16xf32>,
        %parallel_loop3A_517 = arith.constant 8 : i32
        %parallel_loop3A_518 = arith.divsi %parallel_loop3A_514, %parallel_loop3A_517 : i32
        %parallel_loop3A_519 = arith.constant 0 : i32
        %parallel_loop3A_520 = arith.cmpi sgt, %parallel_loop3A_514, %parallel_loop3A_519 : i32
        %parallel_loop3A_521 = arith.extui %parallel_loop3A_520 : i1 to i32
        %parallel_loop3A_522 = arith.constant 0 : i32
        %parallel_loop3A_523 = arith.cmpi slt, %parallel_loop3A_514, %parallel_loop3A_522 : i32
        %parallel_loop3A_524 = arith.extui %parallel_loop3A_523 : i1 to i32
        %parallel_loop3A_525 = arith.subi %parallel_loop3A_521, %parallel_loop3A_524 : i32
        %parallel_loop3A_526 = arith.constant 0 : i32
        %parallel_loop3A_527 = arith.cmpi sgt, %parallel_loop3A_517, %parallel_loop3A_526 : i32
        %parallel_loop3A_528 = arith.extui %parallel_loop3A_527 : i1 to i32
        %parallel_loop3A_529 = arith.constant 0 : i32
        %parallel_loop3A_530 = arith.cmpi slt, %parallel_loop3A_517, %parallel_loop3A_529 : i32
        %parallel_loop3A_531 = arith.extui %parallel_loop3A_530 : i1 to i32
        %parallel_loop3A_532 = arith.subi %parallel_loop3A_528, %parallel_loop3A_531 : i32
        %parallel_loop3A_533 = arith.cmpi ne, %parallel_loop3A_525, %parallel_loop3A_532 : i32
        %parallel_loop3A_534 = arith.remsi %parallel_loop3A_514, %parallel_loop3A_517 : i32
        %parallel_loop3A_535 = arith.constant 0 : i32
        %parallel_loop3A_536 = arith.cmpi ne, %parallel_loop3A_534, %parallel_loop3A_535 : i32
        %parallel_loop3A_537 = arith.andi %parallel_loop3A_533, %parallel_loop3A_536 : i1
        %parallel_loop3A_538 = arith.constant 1 : i32
        %parallel_loop3A_539 = arith.subi %parallel_loop3A_518, %parallel_loop3A_538 : i32
        %parallel_loop3A_540 = arith.select %parallel_loop3A_537, %parallel_loop3A_539, %parallel_loop3A_518 : i32
        %parallel_loop3A_541 = arith.constant 8 : i32
        %parallel_loop3A_542 = arith.constant 0 : i32
        %parallel_loop3A_543 = arith.cmpi eq, %parallel_loop3A_541, %parallel_loop3A_542 : i32
        %parallel_loop3A_544 = arith.constant 1 : i32
        %parallel_loop3A_545 = arith.select %parallel_loop3A_543, %parallel_loop3A_544, %parallel_loop3A_541 : i32
        %parallel_loop3A_546 = arith.remsi %parallel_loop3A_514, %parallel_loop3A_545 : i32
        %parallel_loop3A_547 = arith.constant 0 : i32
        %parallel_loop3A_548 = arith.cmpi ne, %parallel_loop3A_546, %parallel_loop3A_547 : i32
        %parallel_loop3A_549 = arith.constant 0 : i32
        %parallel_loop3A_550 = arith.cmpi slt, %parallel_loop3A_546, %parallel_loop3A_549 : i32
        %parallel_loop3A_551 = arith.constant 0 : i32
        %parallel_loop3A_552 = arith.cmpi slt, %parallel_loop3A_545, %parallel_loop3A_551 : i32
        %parallel_loop3A_553 = arith.xori %parallel_loop3A_550, %parallel_loop3A_552 : i1
        %parallel_loop3A_554 = arith.andi %parallel_loop3A_553, %parallel_loop3A_548 : i1
        %parallel_loop3A_555 = arith.addi %parallel_loop3A_546, %parallel_loop3A_545 : i32
        %parallel_loop3A_556 = arith.select %parallel_loop3A_554, %parallel_loop3A_555, %parallel_loop3A_546 : i32
        %parallel_loop3A_557 = arith.index_cast %parallel_loop3A_540 : i32 to index
        %parallel_loop3A_558 = arith.index_cast %select_n3A : i32 to index
        %parallel_loop3A_559 = arith.index_cast %parallel_loop3A_556 : i32 to index
        %parallel_loop3A_560 = arith.index_cast %mul3A_509 : i32 to index
        %parallel_loop3A_561 = tpu.vector_load %arg9[%parallel_loop3A_557, %parallel_loop3A_558, %parallel_loop3A_559, %parallel_loop3A_560] {strides = array<i32>} : memref<8x2x8x128xf32, #tpu.memory_space<vmem>>, vector<16xf32>,
        tpu.vector_store %arg9[%parallel_loop3A_557, %parallel_loop3A_558, %parallel_loop3A_559, %parallel_loop3A_560], %parallel_loop3A_516 {strides = array<i32>} : memref<8x2x8x128xf32, #tpu.memory_space<vmem>>, vector<16xf32>,
        %parallel_loop3A_562 = arith.constant 1 : i32
        %parallel_loop3A_563 = vector.broadcast %parallel_loop3A_562 : i32 to vector<16xi32>
        %parallel_loop3A_564 = arith.addi %parallel_loop3A_515, %parallel_loop3A_563 : vector<16xi32>
        scf.yield %parallel_loop3A_564 : vector<16xi32>
      } {sc.loop_unroll_factor = 8 : i64, sc.parallel_access}
    }
    %scan3A_230 = arith.constant 16 : i32
    %add3A_231 = arith.constant 0 : i32
    %add3A_232 = arith.addi %mul3A_4, %add3A_231 : i32
    %dma_start3A_233 = arith.constant 1 : i32
    %dma_start3A_234 = arith.constant 0 : i32
    %dma_start3A_235 = arith.constant 0 : i32
    %dma_start3A_236 = arith.constant 0 : i32
    %dma_start3A_237 = tpu.memref_slice %arg4[%dma_start3A_233, %dma_start3A_234, %add3A_232, %dma_start3A_235, %dma_start3A_236] : memref<200x8x128x8x128xf32, #tpu.memory_space<hbm>> -> memref<1x8x2x8x128xf32, #tpu.memory_space<hbm>>
    %dma_start3A_238 = tpu.memref_squeeze %dma_start3A_237 : memref<1x8x2x8x128xf32, #tpu.memory_space<hbm>> -> memref<8x2x8x128xf32, #tpu.memory_space<hbm>>
    %dma_start3A_239 = arith.constant 0 : i32
    %dma_start3A_240 = arith.constant 0 : i32
    %dma_start3A_241 = arith.constant 0 : i32
    %dma_start3A_242 = tpu.memref_slice %arg4[%dma_start3A_233, %dma_start3A_239, %add3A_232, %dma_start3A_240, %dma_start3A_241] : memref<200x8x128x8x128xf32, #tpu.memory_space<hbm>> -> memref<1x8x2x8x128xf32, #tpu.memory_space<hbm>>
    %dma_start3A_243 = tpu.memref_squeeze %dma_start3A_242 : memref<1x8x2x8x128xf32, #tpu.memory_space<hbm>> -> memref<8x2x8x128xf32, #tpu.memory_space<hbm>>
    tpu.enqueue_dma source(%arg9 : memref<8x2x8x128xf32, #tpu.memory_space<vmem>>) target(%dma_start3A_243 : memref<8x2x8x128xf32, #tpu.memory_space<hbm>>) target_semaphore(%arg15 : memref<!tpu.dma_semaphore, #tpu.memory_space<semaphore_mem>>)
    %dma_wait3A_244 = arith.constant 0 : i32
    %dma_wait3A_245 = arith.constant 0 : i32
    %dma_wait3A_246 = tpu.memref_slice %arg8[%dma_wait3A_244, %dma_wait3A_245] : memref<256x64xf32, #tpu.memory_space<vmem>> -> memref<128x64xf32, #tpu.memory_space<vmem>>
    %dma_wait3A_247 = arith.constant 0 : i32
    %dma_wait3A_248 = tpu.memref_slice %arg6[%dma_wait3A_247] : memref<256xi32, #tpu.memory_space<vmem>> -> memref<128xi32, #tpu.memory_space<vmem>>
    %dma_wait3A_249 = arith.constant 0 : i32
    %dma_wait3A_250 = arith.constant 0 : i32
    %dma_wait3A_251 = tpu.memref_slice %arg3[%dma_wait3A_249, %dma_wait3A_250] : memref<1000000x64xf32, #tpu.memory_space<hbm>> -> memref<1000000x64xf32, #tpu.memory_space<hbm>>
    tpu.wait_indirect_dma semaphore(%arg14 : memref<!tpu.dma_semaphore, #tpu.memory_space<semaphore_mem>>) src(%dma_wait3A_251 : memref<1000000x64xf32, #tpu.memory_space<hbm>>) dst(%dma_wait3A_246 : memref<128x64xf32, #tpu.memory_space<vmem>>)
    %dma_wait3A_252 = arith.constant 128 : i32
    %dma_wait3A_253 = arith.constant 0 : i32
    %dma_wait3A_254 = tpu.memref_slice %arg8[%dma_wait3A_252, %dma_wait3A_253] : memref<256x64xf32, #tpu.memory_space<vmem>> -> memref<128x64xf32, #tpu.memory_space<vmem>>
    %dma_wait3A_255 = arith.constant 128 : i32
    %dma_wait3A_256 = tpu.memref_slice %arg6[%dma_wait3A_255] : memref<256xi32, #tpu.memory_space<vmem>> -> memref<128xi32, #tpu.memory_space<vmem>>
    %dma_wait3A_257 = arith.constant 0 : i32
    %dma_wait3A_258 = arith.constant 0 : i32
    %dma_wait3A_259 = tpu.memref_slice %arg3[%dma_wait3A_257, %dma_wait3A_258] : memref<1000000x64xf32, #tpu.memory_space<hbm>> -> memref<1000000x64xf32, #tpu.memory_space<hbm>>
    tpu.wait_indirect_dma semaphore(%arg14 : memref<!tpu.dma_semaphore, #tpu.memory_space<semaphore_mem>>) src(%dma_wait3A_259 : memref<1000000x64xf32, #tpu.memory_space<hbm>>) dst(%dma_wait3A_254 : memref<128x64xf32, #tpu.memory_space<vmem>>)
    %add3A_260 = arith.constant 256 : i32
    %add3A_261 = arith.addi %mul3A_2, %add3A_260 : i32
    %dma_start3A_262 = arith.constant 2 : i32
    %dma_start3A_263 = tpu.memref_slice %arg2[%dma_start3A_262, %add3A_261] : memref<200x16384xi32, #tpu.memory_space<hbm>> -> memref<1x256xi32, #tpu.memory_space<hbm>>
    %dma_start3A_264 = tpu.memref_squeeze %dma_start3A_263 : memref<1x256xi32, #tpu.memory_space<hbm>> -> memref<256xi32, #tpu.memory_space<hbm>>
    %dma_start3A_265 = tpu.memref_slice %arg2[%dma_start3A_262, %add3A_261] : memref<200x16384xi32, #tpu.memory_space<hbm>> -> memref<1x256xi32, #tpu.memory_space<hbm>>
    %dma_start3A_266 = tpu.memref_squeeze %dma_start3A_265 : memref<1x256xi32, #tpu.memory_space<hbm>> -> memref<256xi32, #tpu.memory_space<hbm>>
    tpu.enqueue_dma source(%dma_start3A_266 : memref<256xi32, #tpu.memory_space<hbm>>) target(%arg6 : memref<256xi32, #tpu.memory_space<vmem>>) target_semaphore(%arg12 : memref<!tpu.dma_semaphore, #tpu.memory_space<semaphore_mem>>)
    %scan3A_267 = arith.constant 0 : i32
    %scan3A_268 = arith.constant 197 : i32
    %scan3A_269 = arith.addi %scan3A_267, %scan3A_268 : i32
    %scan3A_270 = arith.constant 1 : i32
    scf.for %scan3A_469 = %scan3A_267 to %scan3A_269 step %scan3A_270  : i32 {
      %mul3A_470 = arith.constant 1 : i32
      %mul3A_471 = arith.muli %scan3A_469, %mul3A_470 : i32
      %add3A_472 = arith.constant 2 : i32
      %add3A_473 = arith.addi %add3A_472, %mul3A_471 : i32
      %sub3A = arith.constant 1 : i32
      %sub3A_474 = arith.subi %add3A_473, %sub3A : i32
      %dma_wait3A_475 = arith.constant 0 : i32
      %dma_wait3A_476 = arith.constant 0 : i32
      %dma_wait3A_477 = tpu.memref_slice %arg2[%dma_wait3A_475, %dma_wait3A_476] : memref<200x16384xi32, #tpu.memory_space<hbm>> -> memref<1x256xi32, #tpu.memory_space<hbm>>
      %dma_wait3A_478 = tpu.memref_squeeze %dma_wait3A_477 : memref<1x256xi32, #tpu.memory_space<hbm>> -> memref<256xi32, #tpu.memory_space<hbm>>
      %dma_wait3A_479 = arith.constant 0 : i32
      %dma_wait3A_480 = tpu.memref_slice %arg2[%dma_wait3A_475, %dma_wait3A_479] : memref<200x16384xi32, #tpu.memory_space<hbm>> -> memref<1x256xi32, #tpu.memory_space<hbm>>
      %dma_wait3A_481 = tpu.memref_squeeze %dma_wait3A_480 : memref<1x256xi32, #tpu.memory_space<hbm>> -> memref<256xi32, #tpu.memory_space<hbm>>
      tpu.wait_dma2 semaphore(%arg11 : memref<!tpu.dma_semaphore, #tpu.memory_space<semaphore_mem>>) src(%dma_wait3A_481 : memref<256xi32, #tpu.memory_space<hbm>>) dst(%arg5 : memref<256xi32, #tpu.memory_space<vmem>>)
      %dma_start3A_482 = arith.constant 0 : i32
      %dma_start3A_483 = arith.constant 0 : i32
      %dma_start3A_484 = tpu.memref_slice %arg7[%dma_start3A_482, %dma_start3A_483] : memref<256x64xf32, #tpu.memory_space<vmem>> -> memref<128x64xf32, #tpu.memory_space<vmem>>
      %dma_start3A_485 = arith.constant 0 : i32
      %dma_start3A_486 = tpu.memref_slice %arg5[%dma_start3A_485] : memref<256xi32, #tpu.memory_space<vmem>> -> memref<128xi32, #tpu.memory_space<vmem>>
      %dma_start3A_487 = arith.constant 0 : i32
      %dma_start3A_488 = arith.constant 0 : i32
      %dma_start3A_489 = tpu.memref_slice %arg3[%dma_start3A_487, %dma_start3A_488] : memref<1000000x64xf32, #tpu.memory_space<hbm>> -> memref<1000000x64xf32, #tpu.memory_space<hbm>>
      tpu.enqueue_indirect_dma source(%dma_start3A_489 : memref<1000000x64xf32, #tpu.memory_space<hbm>>) target(%dma_start3A_484 : memref<128x64xf32, #tpu.memory_space<vmem>>) offsets(%dma_start3A_486 : memref<128xi32, #tpu.memory_space<vmem>>) semaphore(%arg13 : memref<!tpu.dma_semaphore, #tpu.memory_space<semaphore_mem>>)
      %dma_start3A_490 = arith.constant 128 : i32
      %dma_start3A_491 = arith.constant 0 : i32
      %dma_start3A_492 = tpu.memref_slice %arg7[%dma_start3A_490, %dma_start3A_491] : memref<256x64xf32, #tpu.memory_space<vmem>> -> memref<128x64xf32, #tpu.memory_space<vmem>>
      %dma_start3A_493 = arith.constant 128 : i32
      %dma_start3A_494 = tpu.memref_slice %arg5[%dma_start3A_493] : memref<256xi32, #tpu.memory_space<vmem>> -> memref<128xi32, #tpu.memory_space<vmem>>
      %dma_start3A_495 = arith.constant 0 : i32
      %dma_start3A_496 = arith.constant 0 : i32
      %dma_start3A_497 = tpu.memref_slice %arg3[%dma_start3A_495, %dma_start3A_496] : memref<1000000x64xf32, #tpu.memory_space<hbm>> -> memref<1000000x64xf32, #tpu.memory_space<hbm>>
      tpu.enqueue_indirect_dma source(%dma_start3A_497 : memref<1000000x64xf32, #tpu.memory_space<hbm>>) target(%dma_start3A_492 : memref<128x64xf32, #tpu.memory_space<vmem>>) offsets(%dma_start3A_494 : memref<128xi32, #tpu.memory_space<vmem>>) semaphore(%arg13 : memref<!tpu.dma_semaphore, #tpu.memory_space<semaphore_mem>>)
      %dma_wait3A_498 = arith.constant 0 : i32
      %dma_wait3A_499 = arith.constant 0 : i32
      %dma_wait3A_500 = arith.constant 0 : i32
      %dma_wait3A_501 = arith.constant 0 : i32
      %dma_wait3A_502 = arith.constant 0 : i32
      %dma_wait3A_503 = tpu.memref_slice %arg4[%dma_wait3A_498, %dma_wait3A_499, %dma_wait3A_500, %dma_wait3A_501, %dma_wait3A_502] : memref<200x8x128x8x128xf32, #tpu.memory_space<hbm>> -> memref<1x8x2x8x128xf32, #tpu.memory_space<hbm>>
      %dma_wait3A_504 = tpu.memref_squeeze %dma_wait3A_503 : memref<1x8x2x8x128xf32, #tpu.memory_space<hbm>> -> memref<8x2x8x128xf32, #tpu.memory_space<hbm>>
      %dma_wait3A_505 = arith.constant 0 : i32
      %dma_wait3A_506 = arith.constant 0 : i32
      %dma_wait3A_507 = arith.constant 0 : i32
      %dma_wait3A_508 = arith.constant 0 : i32
      %dma_wait3A_509 = tpu.memref_slice %arg4[%dma_wait3A_498, %dma_wait3A_505, %dma_wait3A_506, %dma_wait3A_507, %dma_wait3A_508] : memref<200x8x128x8x128xf32, #tpu.memory_space<hbm>> -> memref<1x8x2x8x128xf32, #tpu.memory_space<hbm>>
      %dma_wait3A_510 = tpu.memref_squeeze %dma_wait3A_509 : memref<1x8x2x8x128xf32, #tpu.memory_space<hbm>> -> memref<8x2x8x128xf32, #tpu.memory_space<hbm>>
      tpu.wait_dma2 semaphore(%arg16 : memref<!tpu.dma_semaphore, #tpu.memory_space<semaphore_mem>>) src(%arg10 : memref<8x2x8x128xf32, #tpu.memory_space<vmem>>) dst(%dma_wait3A_510 : memref<8x2x8x128xf32, #tpu.memory_space<hbm>>)
      %scan3A_511 = arith.constant 0 : i32
      %scan3A_512 = arith.constant 16 : i32
      %scan3A_513 = arith.addi %scan3A_511, %scan3A_512 : i32
      %scan3A_514 = arith.constant 1 : i32
      scf.for %scan3A_629 = %scan3A_511 to %scan3A_513 step %scan3A_514  : i32 {
        %mul3A_630 = arith.constant 1 : i32
        %mul3A_631 = arith.muli %scan3A_629, %mul3A_630 : i32
        %add3A_632 = arith.constant 0 : i32
        %add3A_633 = arith.addi %add3A_632, %mul3A_631 : i32
        %mul3A_634 = arith.constant 16 : i32
        %mul3A_635 = arith.muli %add3A_633, %mul3A_634 : i32
        %add3A_636 = vector.broadcast %mul3A_635 : i32 to vector<16xi32>
        %add3A_637 = arith.addi %add3A_636, %iota3A : vector<16xi32>
        %jit3A = arith.constant 8 : i32
        %div3A = arith.divsi %add3A_633, %jit3A : i32
        %sign3A = arith.constant 0 : i32
        %sign3A_638 = arith.cmpi sgt, %add3A_633, %sign3A : i32
        %sign3A_639 = arith.extui %sign3A_638 : i1 to i32
        %sign3A_640 = arith.constant 0 : i32
        %sign3A_641 = arith.cmpi slt, %add3A_633, %sign3A_640 : i32
        %sign3A_642 = arith.extui %sign3A_641 : i1 to i32
        %sign3A_643 = arith.subi %sign3A_639, %sign3A_642 : i32
        %sign3A_644 = arith.constant 0 : i32
        %sign3A_645 = arith.cmpi sgt, %jit3A, %sign3A_644 : i32
        %sign3A_646 = arith.extui %sign3A_645 : i1 to i32
        %sign3A_647 = arith.constant 0 : i32
        %sign3A_648 = arith.cmpi slt, %jit3A, %sign3A_647 : i32
        %sign3A_649 = arith.extui %sign3A_648 : i1 to i32
        %sign3A_650 = arith.subi %sign3A_646, %sign3A_649 : i32
        %ne3A = arith.cmpi ne, %sign3A_643, %sign3A_650 : i32
        %rem3A = arith.remsi %add3A_633, %jit3A : i32
        %ne3A_651 = arith.constant 0 : i32
        %ne3A_652 = arith.cmpi ne, %rem3A, %ne3A_651 : i32
        %and3A = arith.andi %ne3A, %ne3A_652 : i1
        %sub3A_653 = arith.constant 1 : i32
        %sub3A_654 = arith.subi %div3A, %sub3A_653 : i32
        %select_n3A = arith.select %and3A, %sub3A_654, %div3A : i32
        %jit3A_655 = arith.constant 8 : i32
        %eq3A = arith.constant 0 : i32
        %eq3A_656 = arith.cmpi eq, %jit3A_655, %eq3A : i32
        %jit3A_657 = arith.constant 1 : i32
        %select_n3A_658 = arith.select %eq3A_656, %jit3A_657, %jit3A_655 : i32
        %rem3A_659 = arith.remsi %add3A_633, %select_n3A_658 : i32
        %ne3A_660 = arith.constant 0 : i32
        %ne3A_661 = arith.cmpi ne, %rem3A_659, %ne3A_660 : i32
        %lt3A = arith.constant 0 : i32
        %lt3A_662 = arith.cmpi slt, %rem3A_659, %lt3A : i32
        %lt3A_663 = arith.constant 0 : i32
        %lt3A_664 = arith.cmpi slt, %select_n3A_658, %lt3A_663 : i32
        %ne3A_665 = arith.xori %lt3A_662, %lt3A_664 : i1
        %and3A_666 = arith.andi %ne3A_665, %ne3A_661 : i1
        %add3A_667 = arith.addi %rem3A_659, %select_n3A_658 : i32
        %select_n3A_668 = arith.select %and3A_666, %add3A_667, %rem3A_659 : i32
        %mul3A_669 = arith.constant 16 : i32
        %mul3A_670 = arith.muli %select_n3A_668, %mul3A_669 : i32
        %broadcast_in_dim3A = arith.constant 0 : i32
        %broadcast_in_dim3A_671 = vector.broadcast %broadcast_in_dim3A : i32 to vector<16xi32>
        %parallel_loop3A = arith.constant 0 : i32
        %parallel_loop3A_672 = arith.constant 64 : i32
        %parallel_loop3A_673 = arith.constant 1 : i32
        %parallel_loop3A_674 = scf.for %parallel_loop3A_675 = %parallel_loop3A to %parallel_loop3A_672 step %parallel_loop3A_673 iter_args(%parallel_loop3A_676 = %broadcast_in_dim3A_671) -> (vector<16xi32>)  : i32 {
          %parallel_loop3A_677 = tpu.vector_load_idx %arg8[%add3A_637, %parallel_loop3A_676] : memref<256x64xf32, #tpu.memory_space<vmem>>[vector<16xi32>, vector<16xi32>], vector<16xf32>,
          %parallel_loop3A_678 = arith.constant 8 : i32
          %parallel_loop3A_679 = arith.divsi %parallel_loop3A_675, %parallel_loop3A_678 : i32
          %parallel_loop3A_680 = arith.constant 0 : i32
          %parallel_loop3A_681 = arith.cmpi sgt, %parallel_loop3A_675, %parallel_loop3A_680 : i32
          %parallel_loop3A_682 = arith.extui %parallel_loop3A_681 : i1 to i32
          %parallel_loop3A_683 = arith.constant 0 : i32
          %parallel_loop3A_684 = arith.cmpi slt, %parallel_loop3A_675, %parallel_loop3A_683 : i32
          %parallel_loop3A_685 = arith.extui %parallel_loop3A_684 : i1 to i32
          %parallel_loop3A_686 = arith.subi %parallel_loop3A_682, %parallel_loop3A_685 : i32
          %parallel_loop3A_687 = arith.constant 0 : i32
          %parallel_loop3A_688 = arith.cmpi sgt, %parallel_loop3A_678, %parallel_loop3A_687 : i32
          %parallel_loop3A_689 = arith.extui %parallel_loop3A_688 : i1 to i32
          %parallel_loop3A_690 = arith.constant 0 : i32
          %parallel_loop3A_691 = arith.cmpi slt, %parallel_loop3A_678, %parallel_loop3A_690 : i32
          %parallel_loop3A_692 = arith.extui %parallel_loop3A_691 : i1 to i32
          %parallel_loop3A_693 = arith.subi %parallel_loop3A_689, %parallel_loop3A_692 : i32
          %parallel_loop3A_694 = arith.cmpi ne, %parallel_loop3A_686, %parallel_loop3A_693 : i32
          %parallel_loop3A_695 = arith.remsi %parallel_loop3A_675, %parallel_loop3A_678 : i32
          %parallel_loop3A_696 = arith.constant 0 : i32
          %parallel_loop3A_697 = arith.cmpi ne, %parallel_loop3A_695, %parallel_loop3A_696 : i32
          %parallel_loop3A_698 = arith.andi %parallel_loop3A_694, %parallel_loop3A_697 : i1
          %parallel_loop3A_699 = arith.constant 1 : i32
          %parallel_loop3A_700 = arith.subi %parallel_loop3A_679, %parallel_loop3A_699 : i32
          %parallel_loop3A_701 = arith.select %parallel_loop3A_698, %parallel_loop3A_700, %parallel_loop3A_679 : i32
          %parallel_loop3A_702 = arith.constant 8 : i32
          %parallel_loop3A_703 = arith.constant 0 : i32
          %parallel_loop3A_704 = arith.cmpi eq, %parallel_loop3A_702, %parallel_loop3A_703 : i32
          %parallel_loop3A_705 = arith.constant 1 : i32
          %parallel_loop3A_706 = arith.select %parallel_loop3A_704, %parallel_loop3A_705, %parallel_loop3A_702 : i32
          %parallel_loop3A_707 = arith.remsi %parallel_loop3A_675, %parallel_loop3A_706 : i32
          %parallel_loop3A_708 = arith.constant 0 : i32
          %parallel_loop3A_709 = arith.cmpi ne, %parallel_loop3A_707, %parallel_loop3A_708 : i32
          %parallel_loop3A_710 = arith.constant 0 : i32
          %parallel_loop3A_711 = arith.cmpi slt, %parallel_loop3A_707, %parallel_loop3A_710 : i32
          %parallel_loop3A_712 = arith.constant 0 : i32
          %parallel_loop3A_713 = arith.cmpi slt, %parallel_loop3A_706, %parallel_loop3A_712 : i32
          %parallel_loop3A_714 = arith.xori %parallel_loop3A_711, %parallel_loop3A_713 : i1
          %parallel_loop3A_715 = arith.andi %parallel_loop3A_714, %parallel_loop3A_709 : i1
          %parallel_loop3A_716 = arith.addi %parallel_loop3A_707, %parallel_loop3A_706 : i32
          %parallel_loop3A_717 = arith.select %parallel_loop3A_715, %parallel_loop3A_716, %parallel_loop3A_707 : i32
          %parallel_loop3A_718 = arith.index_cast %parallel_loop3A_701 : i32 to index
          %parallel_loop3A_719 = arith.index_cast %select_n3A : i32 to index
          %parallel_loop3A_720 = arith.index_cast %parallel_loop3A_717 : i32 to index
          %parallel_loop3A_721 = arith.index_cast %mul3A_670 : i32 to index
          %parallel_loop3A_722 = tpu.vector_load %arg10[%parallel_loop3A_718, %parallel_loop3A_719, %parallel_loop3A_720, %parallel_loop3A_721] {strides = array<i32>} : memref<8x2x8x128xf32, #tpu.memory_space<vmem>>, vector<16xf32>,
          tpu.vector_store %arg10[%parallel_loop3A_718, %parallel_loop3A_719, %parallel_loop3A_720, %parallel_loop3A_721], %parallel_loop3A_677 {strides = array<i32>} : memref<8x2x8x128xf32, #tpu.memory_space<vmem>>, vector<16xf32>,
          %parallel_loop3A_723 = arith.constant 1 : i32
          %parallel_loop3A_724 = vector.broadcast %parallel_loop3A_723 : i32 to vector<16xi32>
          %parallel_loop3A_725 = arith.addi %parallel_loop3A_676, %parallel_loop3A_724 : vector<16xi32>
          scf.yield %parallel_loop3A_725 : vector<16xi32>
        } {sc.loop_unroll_factor = 8 : i64, sc.parallel_access}
      }
      %scan3A_515 = arith.constant 16 : i32
      %add3A_516 = arith.constant 2 : i32
      %add3A_517 = arith.addi %mul3A_4, %add3A_516 : i32
      %dma_start3A_518 = arith.constant 0 : i32
      %dma_start3A_519 = arith.constant 0 : i32
      %dma_start3A_520 = arith.constant 0 : i32
      %dma_start3A_521 = tpu.memref_slice %arg4[%sub3A_474, %dma_start3A_518, %add3A_517, %dma_start3A_519, %dma_start3A_520] : memref<200x8x128x8x128xf32, #tpu.memory_space<hbm>> -> memref<1x8x2x8x128xf32, #tpu.memory_space<hbm>>
      %dma_start3A_522 = tpu.memref_squeeze %dma_start3A_521 : memref<1x8x2x8x128xf32, #tpu.memory_space<hbm>> -> memref<8x2x8x128xf32, #tpu.memory_space<hbm>>
      %dma_start3A_523 = arith.constant 0 : i32
      %dma_start3A_524 = arith.constant 0 : i32
      %dma_start3A_525 = arith.constant 0 : i32
      %dma_start3A_526 = tpu.memref_slice %arg4[%sub3A_474, %dma_start3A_523, %add3A_517, %dma_start3A_524, %dma_start3A_525] : memref<200x8x128x8x128xf32, #tpu.memory_space<hbm>> -> memref<1x8x2x8x128xf32, #tpu.memory_space<hbm>>
      %dma_start3A_527 = tpu.memref_squeeze %dma_start3A_526 : memref<1x8x2x8x128xf32, #tpu.memory_space<hbm>> -> memref<8x2x8x128xf32, #tpu.memory_space<hbm>>
      tpu.enqueue_dma source(%arg10 : memref<8x2x8x128xf32, #tpu.memory_space<vmem>>) target(%dma_start3A_527 : memref<8x2x8x128xf32, #tpu.memory_space<hbm>>) target_semaphore(%arg16 : memref<!tpu.dma_semaphore, #tpu.memory_space<semaphore_mem>>)
      %dma_wait3A_528 = arith.constant 0 : i32
      %dma_wait3A_529 = arith.constant 0 : i32
      %dma_wait3A_530 = tpu.memref_slice %arg7[%dma_wait3A_528, %dma_wait3A_529] : memref<256x64xf32, #tpu.memory_space<vmem>> -> memref<128x64xf32, #tpu.memory_space<vmem>>
      %dma_wait3A_531 = arith.constant 0 : i32
      %dma_wait3A_532 = tpu.memref_slice %arg5[%dma_wait3A_531] : memref<256xi32, #tpu.memory_space<vmem>> -> memref<128xi32, #tpu.memory_space<vmem>>
      %dma_wait3A_533 = arith.constant 0 : i32
      %dma_wait3A_534 = arith.constant 0 : i32
      %dma_wait3A_535 = tpu.memref_slice %arg3[%dma_wait3A_533, %dma_wait3A_534] : memref<1000000x64xf32, #tpu.memory_space<hbm>> -> memref<1000000x64xf32, #tpu.memory_space<hbm>>
      tpu.wait_indirect_dma semaphore(%arg13 : memref<!tpu.dma_semaphore, #tpu.memory_space<semaphore_mem>>) src(%dma_wait3A_535 : memref<1000000x64xf32, #tpu.memory_space<hbm>>) dst(%dma_wait3A_530 : memref<128x64xf32, #tpu.memory_space<vmem>>)
      %dma_wait3A_536 = arith.constant 128 : i32
      %dma_wait3A_537 = arith.constant 0 : i32
      %dma_wait3A_538 = tpu.memref_slice %arg7[%dma_wait3A_536, %dma_wait3A_537] : memref<256x64xf32, #tpu.memory_space<vmem>> -> memref<128x64xf32, #tpu.memory_space<vmem>>
      %dma_wait3A_539 = arith.constant 128 : i32
      %dma_wait3A_540 = tpu.memref_slice %arg5[%dma_wait3A_539] : memref<256xi32, #tpu.memory_space<vmem>> -> memref<128xi32, #tpu.memory_space<vmem>>
      %dma_wait3A_541 = arith.constant 0 : i32
      %dma_wait3A_542 = arith.constant 0 : i32
      %dma_wait3A_543 = tpu.memref_slice %arg3[%dma_wait3A_541, %dma_wait3A_542] : memref<1000000x64xf32, #tpu.memory_space<hbm>> -> memref<1000000x64xf32, #tpu.memory_space<hbm>>
      tpu.wait_indirect_dma semaphore(%arg13 : memref<!tpu.dma_semaphore, #tpu.memory_space<semaphore_mem>>) src(%dma_wait3A_543 : memref<1000000x64xf32, #tpu.memory_space<hbm>>) dst(%dma_wait3A_538 : memref<128x64xf32, #tpu.memory_space<vmem>>)
      %add3A_544 = arith.constant 1 : i32
      %add3A_545 = arith.addi %add3A_473, %add3A_544 : i32
      %add3A_546 = arith.constant 0 : i32
      %add3A_547 = arith.addi %mul3A_2, %add3A_546 : i32
      %dma_start3A_548 = tpu.memref_slice %arg2[%add3A_545, %add3A_547] : memref<200x16384xi32, #tpu.memory_space<hbm>> -> memref<1x256xi32, #tpu.memory_space<hbm>>
      %dma_start3A_549 = tpu.memref_squeeze %dma_start3A_548 : memref<1x256xi32, #tpu.memory_space<hbm>> -> memref<256xi32, #tpu.memory_space<hbm>>
      %dma_start3A_550 = tpu.memref_slice %arg2[%add3A_545, %add3A_547] : memref<200x16384xi32, #tpu.memory_space<hbm>> -> memref<1x256xi32, #tpu.memory_space<hbm>>
      %dma_start3A_551 = tpu.memref_squeeze %dma_start3A_550 : memref<1x256xi32, #tpu.memory_space<hbm>> -> memref<256xi32, #tpu.memory_space<hbm>>
      tpu.enqueue_dma source(%dma_start3A_551 : memref<256xi32, #tpu.memory_space<hbm>>) target(%arg5 : memref<256xi32, #tpu.memory_space<vmem>>) target_semaphore(%arg11 : memref<!tpu.dma_semaphore, #tpu.memory_space<semaphore_mem>>)
      %dma_wait3A_552 = arith.constant 0 : i32
      %dma_wait3A_553 = arith.constant 0 : i32
      %dma_wait3A_554 = tpu.memref_slice %arg2[%dma_wait3A_552, %dma_wait3A_553] : memref<200x16384xi32, #tpu.memory_space<hbm>> -> memref<1x256xi32, #tpu.memory_space<hbm>>
      %dma_wait3A_555 = tpu.memref_squeeze %dma_wait3A_554 : memref<1x256xi32, #tpu.memory_space<hbm>> -> memref<256xi32, #tpu.memory_space<hbm>>
      %dma_wait3A_556 = arith.constant 0 : i32
      %dma_wait3A_557 = tpu.memref_slice %arg2[%dma_wait3A_552, %dma_wait3A_556] : memref<200x16384xi32, #tpu.memory_space<hbm>> -> memref<1x256xi32, #tpu.memory_space<hbm>>
      %dma_wait3A_558 = tpu.memref_squeeze %dma_wait3A_557 : memref<1x256xi32, #tpu.memory_space<hbm>> -> memref<256xi32, #tpu.memory_space<hbm>>
      tpu.wait_dma2 semaphore(%arg12 : memref<!tpu.dma_semaphore, #tpu.memory_space<semaphore_mem>>) src(%dma_wait3A_558 : memref<256xi32, #tpu.memory_space<hbm>>) dst(%arg6 : memref<256xi32, #tpu.memory_space<vmem>>)
      %dma_start3A_559 = arith.constant 0 : i32
      %dma_start3A_560 = arith.constant 0 : i32
      %dma_start3A_561 = tpu.memref_slice %arg8[%dma_start3A_559, %dma_start3A_560] : memref<256x64xf32, #tpu.memory_space<vmem>> -> memref<128x64xf32, #tpu.memory_space<vmem>>
      %dma_start3A_562 = arith.constant 0 : i32
      %dma_start3A_563 = tpu.memref_slice %arg6[%dma_start3A_562] : memref<256xi32, #tpu.memory_space<vmem>> -> memref<128xi32, #tpu.memory_space<vmem>>
      %dma_start3A_564 = arith.constant 0 : i32
      %dma_start3A_565 = arith.constant 0 : i32
      %dma_start3A_566 = tpu.memref_slice %arg3[%dma_start3A_564, %dma_start3A_565] : memref<1000000x64xf32, #tpu.memory_space<hbm>> -> memref<1000000x64xf32, #tpu.memory_space<hbm>>
      tpu.enqueue_indirect_dma source(%dma_start3A_566 : memref<1000000x64xf32, #tpu.memory_space<hbm>>) target(%dma_start3A_561 : memref<128x64xf32, #tpu.memory_space<vmem>>) offsets(%dma_start3A_563 : memref<128xi32, #tpu.memory_space<vmem>>) semaphore(%arg14 : memref<!tpu.dma_semaphore, #tpu.memory_space<semaphore_mem>>)
      %dma_start3A_567 = arith.constant 128 : i32
      %dma_start3A_568 = arith.constant 0 : i32
      %dma_start3A_569 = tpu.memref_slice %arg8[%dma_start3A_567, %dma_start3A_568] : memref<256x64xf32, #tpu.memory_space<vmem>> -> memref<128x64xf32, #tpu.memory_space<vmem>>
      %dma_start3A_570 = arith.constant 128 : i32
      %dma_start3A_571 = tpu.memref_slice %arg6[%dma_start3A_570] : memref<256xi32, #tpu.memory_space<vmem>> -> memref<128xi32, #tpu.memory_space<vmem>>
      %dma_start3A_572 = arith.constant 0 : i32
      %dma_start3A_573 = arith.constant 0 : i32
      %dma_start3A_574 = tpu.memref_slice %arg3[%dma_start3A_572, %dma_start3A_573] : memref<1000000x64xf32, #tpu.memory_space<hbm>> -> memref<1000000x64xf32, #tpu.memory_space<hbm>>
      tpu.enqueue_indirect_dma source(%dma_start3A_574 : memref<1000000x64xf32, #tpu.memory_space<hbm>>) target(%dma_start3A_569 : memref<128x64xf32, #tpu.memory_space<vmem>>) offsets(%dma_start3A_571 : memref<128xi32, #tpu.memory_space<vmem>>) semaphore(%arg14 : memref<!tpu.dma_semaphore, #tpu.memory_space<semaphore_mem>>)
      %dma_wait3A_575 = arith.constant 0 : i32
      %dma_wait3A_576 = arith.constant 0 : i32
      %dma_wait3A_577 = arith.constant 0 : i32
      %dma_wait3A_578 = arith.constant 0 : i32
      %dma_wait3A_579 = arith.constant 0 : i32
      %dma_wait3A_580 = tpu.memref_slice %arg4[%dma_wait3A_575, %dma_wait3A_576, %dma_wait3A_577, %dma_wait3A_578, %dma_wait3A_579] : memref<200x8x128x8x128xf32, #tpu.memory_space<hbm>> -> memref<1x8x2x8x128xf32, #tpu.memory_space<hbm>>
      %dma_wait3A_581 = tpu.memref_squeeze %dma_wait3A_580 : memref<1x8x2x8x128xf32, #tpu.memory_space<hbm>> -> memref<8x2x8x128xf32, #tpu.memory_space<hbm>>
      %dma_wait3A_582 = arith.constant 0 : i32
      %dma_wait3A_583 = arith.constant 0 : i32
      %dma_wait3A_584 = arith.constant 0 : i32
      %dma_wait3A_585 = arith.constant 0 : i32
      %dma_wait3A_586 = tpu.memref_slice %arg4[%dma_wait3A_575, %dma_wait3A_582, %dma_wait3A_583, %dma_wait3A_584, %dma_wait3A_585] : memref<200x8x128x8x128xf32, #tpu.memory_space<hbm>> -> memref<1x8x2x8x128xf32, #tpu.memory_space<hbm>>
      %dma_wait3A_587 = tpu.memref_squeeze %dma_wait3A_586 : memref<1x8x2x8x128xf32, #tpu.memory_space<hbm>> -> memref<8x2x8x128xf32, #tpu.memory_space<hbm>>
      tpu.wait_dma2 semaphore(%arg15 : memref<!tpu.dma_semaphore, #tpu.memory_space<semaphore_mem>>) src(%arg9 : memref<8x2x8x128xf32, #tpu.memory_space<vmem>>) dst(%dma_wait3A_587 : memref<8x2x8x128xf32, #tpu.memory_space<hbm>>)
      %scan3A_588 = arith.constant 0 : i32
      %scan3A_589 = arith.constant 16 : i32
      %scan3A_590 = arith.addi %scan3A_588, %scan3A_589 : i32
      %scan3A_591 = arith.constant 1 : i32
      scf.for %scan3A_629 = %scan3A_588 to %scan3A_590 step %scan3A_591  : i32 {
        %mul3A_630 = arith.constant 1 : i32
        %mul3A_631 = arith.muli %scan3A_629, %mul3A_630 : i32
        %add3A_632 = arith.constant 0 : i32
        %add3A_633 = arith.addi %add3A_632, %mul3A_631 : i32
        %mul3A_634 = arith.constant 16 : i32
        %mul3A_635 = arith.muli %add3A_633, %mul3A_634 : i32
        %add3A_636 = vector.broadcast %mul3A_635 : i32 to vector<16xi32>
        %add3A_637 = arith.addi %add3A_636, %iota3A : vector<16xi32>
        %jit3A = arith.constant 8 : i32
        %div3A = arith.divsi %add3A_633, %jit3A : i32
        %sign3A = arith.constant 0 : i32
        %sign3A_638 = arith.cmpi sgt, %add3A_633, %sign3A : i32
        %sign3A_639 = arith.extui %sign3A_638 : i1 to i32
        %sign3A_640 = arith.constant 0 : i32
        %sign3A_641 = arith.cmpi slt, %add3A_633, %sign3A_640 : i32
        %sign3A_642 = arith.extui %sign3A_641 : i1 to i32
        %sign3A_643 = arith.subi %sign3A_639, %sign3A_642 : i32
        %sign3A_644 = arith.constant 0 : i32
        %sign3A_645 = arith.cmpi sgt, %jit3A, %sign3A_644 : i32
        %sign3A_646 = arith.extui %sign3A_645 : i1 to i32
        %sign3A_647 = arith.constant 0 : i32
        %sign3A_648 = arith.cmpi slt, %jit3A, %sign3A_647 : i32
        %sign3A_649 = arith.extui %sign3A_648 : i1 to i32
        %sign3A_650 = arith.subi %sign3A_646, %sign3A_649 : i32
        %ne3A = arith.cmpi ne, %sign3A_643, %sign3A_650 : i32
        %rem3A = arith.remsi %add3A_633, %jit3A : i32
        %ne3A_651 = arith.constant 0 : i32
        %ne3A_652 = arith.cmpi ne, %rem3A, %ne3A_651 : i32
        %and3A = arith.andi %ne3A, %ne3A_652 : i1
        %sub3A_653 = arith.constant 1 : i32
        %sub3A_654 = arith.subi %div3A, %sub3A_653 : i32
        %select_n3A = arith.select %and3A, %sub3A_654, %div3A : i32
        %jit3A_655 = arith.constant 8 : i32
        %eq3A = arith.constant 0 : i32
        %eq3A_656 = arith.cmpi eq, %jit3A_655, %eq3A : i32
        %jit3A_657 = arith.constant 1 : i32
        %select_n3A_658 = arith.select %eq3A_656, %jit3A_657, %jit3A_655 : i32
        %rem3A_659 = arith.remsi %add3A_633, %select_n3A_658 : i32
        %ne3A_660 = arith.constant 0 : i32
        %ne3A_661 = arith.cmpi ne, %rem3A_659, %ne3A_660 : i32
        %lt3A = arith.constant 0 : i32
        %lt3A_662 = arith.cmpi slt, %rem3A_659, %lt3A : i32
        %lt3A_663 = arith.constant 0 : i32
        %lt3A_664 = arith.cmpi slt, %select_n3A_658, %lt3A_663 : i32
        %ne3A_665 = arith.xori %lt3A_662, %lt3A_664 : i1
        %and3A_666 = arith.andi %ne3A_665, %ne3A_661 : i1
        %add3A_667 = arith.addi %rem3A_659, %select_n3A_658 : i32
        %select_n3A_668 = arith.select %and3A_666, %add3A_667, %rem3A_659 : i32
        %mul3A_669 = arith.constant 16 : i32
        %mul3A_670 = arith.muli %select_n3A_668, %mul3A_669 : i32
        %broadcast_in_dim3A = arith.constant 0 : i32
        %broadcast_in_dim3A_671 = vector.broadcast %broadcast_in_dim3A : i32 to vector<16xi32>
        %parallel_loop3A = arith.constant 0 : i32
        %parallel_loop3A_672 = arith.constant 64 : i32
        %parallel_loop3A_673 = arith.constant 1 : i32
        %parallel_loop3A_674 = scf.for %parallel_loop3A_675 = %parallel_loop3A to %parallel_loop3A_672 step %parallel_loop3A_673 iter_args(%parallel_loop3A_676 = %broadcast_in_dim3A_671) -> (vector<16xi32>)  : i32 {
          %parallel_loop3A_677 = tpu.vector_load_idx %arg7[%add3A_637, %parallel_loop3A_676] : memref<256x64xf32, #tpu.memory_space<vmem>>[vector<16xi32>, vector<16xi32>], vector<16xf32>,
          %parallel_loop3A_678 = arith.constant 8 : i32
          %parallel_loop3A_679 = arith.divsi %parallel_loop3A_675, %parallel_loop3A_678 : i32
          %parallel_loop3A_680 = arith.constant 0 : i32
          %parallel_loop3A_681 = arith.cmpi sgt, %parallel_loop3A_675, %parallel_loop3A_680 : i32
          %parallel_loop3A_682 = arith.extui %parallel_loop3A_681 : i1 to i32
          %parallel_loop3A_683 = arith.constant 0 : i32
          %parallel_loop3A_684 = arith.cmpi slt, %parallel_loop3A_675, %parallel_loop3A_683 : i32
          %parallel_loop3A_685 = arith.extui %parallel_loop3A_684 : i1 to i32
          %parallel_loop3A_686 = arith.subi %parallel_loop3A_682, %parallel_loop3A_685 : i32
          %parallel_loop3A_687 = arith.constant 0 : i32
          %parallel_loop3A_688 = arith.cmpi sgt, %parallel_loop3A_678, %parallel_loop3A_687 : i32
          %parallel_loop3A_689 = arith.extui %parallel_loop3A_688 : i1 to i32
          %parallel_loop3A_690 = arith.constant 0 : i32
          %parallel_loop3A_691 = arith.cmpi slt, %parallel_loop3A_678, %parallel_loop3A_690 : i32
          %parallel_loop3A_692 = arith.extui %parallel_loop3A_691 : i1 to i32
          %parallel_loop3A_693 = arith.subi %parallel_loop3A_689, %parallel_loop3A_692 : i32
          %parallel_loop3A_694 = arith.cmpi ne, %parallel_loop3A_686, %parallel_loop3A_693 : i32
          %parallel_loop3A_695 = arith.remsi %parallel_loop3A_675, %parallel_loop3A_678 : i32
          %parallel_loop3A_696 = arith.constant 0 : i32
          %parallel_loop3A_697 = arith.cmpi ne, %parallel_loop3A_695, %parallel_loop3A_696 : i32
          %parallel_loop3A_698 = arith.andi %parallel_loop3A_694, %parallel_loop3A_697 : i1
          %parallel_loop3A_699 = arith.constant 1 : i32
          %parallel_loop3A_700 = arith.subi %parallel_loop3A_679, %parallel_loop3A_699 : i32
          %parallel_loop3A_701 = arith.select %parallel_loop3A_698, %parallel_loop3A_700, %parallel_loop3A_679 : i32
          %parallel_loop3A_702 = arith.constant 8 : i32
          %parallel_loop3A_703 = arith.constant 0 : i32
          %parallel_loop3A_704 = arith.cmpi eq, %parallel_loop3A_702, %parallel_loop3A_703 : i32
          %parallel_loop3A_705 = arith.constant 1 : i32
          %parallel_loop3A_706 = arith.select %parallel_loop3A_704, %parallel_loop3A_705, %parallel_loop3A_702 : i32
          %parallel_loop3A_707 = arith.remsi %parallel_loop3A_675, %parallel_loop3A_706 : i32
          %parallel_loop3A_708 = arith.constant 0 : i32
          %parallel_loop3A_709 = arith.cmpi ne, %parallel_loop3A_707, %parallel_loop3A_708 : i32
          %parallel_loop3A_710 = arith.constant 0 : i32
          %parallel_loop3A_711 = arith.cmpi slt, %parallel_loop3A_707, %parallel_loop3A_710 : i32
          %parallel_loop3A_712 = arith.constant 0 : i32
          %parallel_loop3A_713 = arith.cmpi slt, %parallel_loop3A_706, %parallel_loop3A_712 : i32
          %parallel_loop3A_714 = arith.xori %parallel_loop3A_711, %parallel_loop3A_713 : i1
          %parallel_loop3A_715 = arith.andi %parallel_loop3A_714, %parallel_loop3A_709 : i1
          %parallel_loop3A_716 = arith.addi %parallel_loop3A_707, %parallel_loop3A_706 : i32
          %parallel_loop3A_717 = arith.select %parallel_loop3A_715, %parallel_loop3A_716, %parallel_loop3A_707 : i32
          %parallel_loop3A_718 = arith.index_cast %parallel_loop3A_701 : i32 to index
          %parallel_loop3A_719 = arith.index_cast %select_n3A : i32 to index
          %parallel_loop3A_720 = arith.index_cast %parallel_loop3A_717 : i32 to index
          %parallel_loop3A_721 = arith.index_cast %mul3A_670 : i32 to index
          %parallel_loop3A_722 = tpu.vector_load %arg9[%parallel_loop3A_718, %parallel_loop3A_719, %parallel_loop3A_720, %parallel_loop3A_721] {strides = array<i32>} : memref<8x2x8x128xf32, #tpu.memory_space<vmem>>, vector<16xf32>,
          tpu.vector_store %arg9[%parallel_loop3A_718, %parallel_loop3A_719, %parallel_loop3A_720, %parallel_loop3A_721], %parallel_loop3A_677 {strides = array<i32>} : memref<8x2x8x128xf32, #tpu.memory_space<vmem>>, vector<16xf32>,
          %parallel_loop3A_723 = arith.constant 1 : i32
          %parallel_loop3A_724 = vector.broadcast %parallel_loop3A_723 : i32 to vector<16xi32>
          %parallel_loop3A_725 = arith.addi %parallel_loop3A_676, %parallel_loop3A_724 : vector<16xi32>
          scf.yield %parallel_loop3A_725 : vector<16xi32>
        } {sc.loop_unroll_factor = 8 : i64, sc.parallel_access}
      }
      %scan3A_592 = arith.constant 16 : i32
      %add3A_593 = arith.constant 0 : i32
      %add3A_594 = arith.addi %mul3A_4, %add3A_593 : i32
      %dma_start3A_595 = arith.constant 0 : i32
      %dma_start3A_596 = arith.constant 0 : i32
      %dma_start3A_597 = arith.constant 0 : i32
      %dma_start3A_598 = tpu.memref_slice %arg4[%add3A_473, %dma_start3A_595, %add3A_594, %dma_start3A_596, %dma_start3A_597] : memref<200x8x128x8x128xf32, #tpu.memory_space<hbm>> -> memref<1x8x2x8x128xf32, #tpu.memory_space<hbm>>
      %dma_start3A_599 = tpu.memref_squeeze %dma_start3A_598 : memref<1x8x2x8x128xf32, #tpu.memory_space<hbm>> -> memref<8x2x8x128xf32, #tpu.memory_space<hbm>>
      %dma_start3A_600 = arith.constant 0 : i32
      %dma_start3A_601 = arith.constant 0 : i32
      %dma_start3A_602 = arith.constant 0 : i32
      %dma_start3A_603 = tpu.memref_slice %arg4[%add3A_473, %dma_start3A_600, %add3A_594, %dma_start3A_601, %dma_start3A_602] : memref<200x8x128x8x128xf32, #tpu.memory_space<hbm>> -> memref<1x8x2x8x128xf32, #tpu.memory_space<hbm>>
      %dma_start3A_604 = tpu.memref_squeeze %dma_start3A_603 : memref<1x8x2x8x128xf32, #tpu.memory_space<hbm>> -> memref<8x2x8x128xf32, #tpu.memory_space<hbm>>
      tpu.enqueue_dma source(%arg9 : memref<8x2x8x128xf32, #tpu.memory_space<vmem>>) target(%dma_start3A_604 : memref<8x2x8x128xf32, #tpu.memory_space<hbm>>) target_semaphore(%arg15 : memref<!tpu.dma_semaphore, #tpu.memory_space<semaphore_mem>>)
      %dma_wait3A_605 = arith.constant 0 : i32
      %dma_wait3A_606 = arith.constant 0 : i32
      %dma_wait3A_607 = tpu.memref_slice %arg8[%dma_wait3A_605, %dma_wait3A_606] : memref<256x64xf32, #tpu.memory_space<vmem>> -> memref<128x64xf32, #tpu.memory_space<vmem>>
      %dma_wait3A_608 = arith.constant 0 : i32
      %dma_wait3A_609 = tpu.memref_slice %arg6[%dma_wait3A_608] : memref<256xi32, #tpu.memory_space<vmem>> -> memref<128xi32, #tpu.memory_space<vmem>>
      %dma_wait3A_610 = arith.constant 0 : i32
      %dma_wait3A_611 = arith.constant 0 : i32
      %dma_wait3A_612 = tpu.memref_slice %arg3[%dma_wait3A_610, %dma_wait3A_611] : memref<1000000x64xf32, #tpu.memory_space<hbm>> -> memref<1000000x64xf32, #tpu.memory_space<hbm>>
      tpu.wait_indirect_dma semaphore(%arg14 : memref<!tpu.dma_semaphore, #tpu.memory_space<semaphore_mem>>) src(%dma_wait3A_612 : memref<1000000x64xf32, #tpu.memory_space<hbm>>) dst(%dma_wait3A_607 : memref<128x64xf32, #tpu.memory_space<vmem>>)
      %dma_wait3A_613 = arith.constant 128 : i32
      %dma_wait3A_614 = arith.constant 0 : i32
      %dma_wait3A_615 = tpu.memref_slice %arg8[%dma_wait3A_613, %dma_wait3A_614] : memref<256x64xf32, #tpu.memory_space<vmem>> -> memref<128x64xf32, #tpu.memory_space<vmem>>
      %dma_wait3A_616 = arith.constant 128 : i32
      %dma_wait3A_617 = tpu.memref_slice %arg6[%dma_wait3A_616] : memref<256xi32, #tpu.memory_space<vmem>> -> memref<128xi32, #tpu.memory_space<vmem>>
      %dma_wait3A_618 = arith.constant 0 : i32
      %dma_wait3A_619 = arith.constant 0 : i32
      %dma_wait3A_620 = tpu.memref_slice %arg3[%dma_wait3A_618, %dma_wait3A_619] : memref<1000000x64xf32, #tpu.memory_space<hbm>> -> memref<1000000x64xf32, #tpu.memory_space<hbm>>
      tpu.wait_indirect_dma semaphore(%arg14 : memref<!tpu.dma_semaphore, #tpu.memory_space<semaphore_mem>>) src(%dma_wait3A_620 : memref<1000000x64xf32, #tpu.memory_space<hbm>>) dst(%dma_wait3A_615 : memref<128x64xf32, #tpu.memory_space<vmem>>)
      %add3A_621 = arith.constant 1 : i32
      %add3A_622 = arith.addi %add3A_473, %add3A_621 : i32
      %add3A_623 = arith.constant 256 : i32
      %add3A_624 = arith.addi %mul3A_2, %add3A_623 : i32
      %dma_start3A_625 = tpu.memref_slice %arg2[%add3A_622, %add3A_624] : memref<200x16384xi32, #tpu.memory_space<hbm>> -> memref<1x256xi32, #tpu.memory_space<hbm>>
      %dma_start3A_626 = tpu.memref_squeeze %dma_start3A_625 : memref<1x256xi32, #tpu.memory_space<hbm>> -> memref<256xi32, #tpu.memory_space<hbm>>
      %dma_start3A_627 = tpu.memref_slice %arg2[%add3A_622, %add3A_624] : memref<200x16384xi32, #tpu.memory_space<hbm>> -> memref<1x256xi32, #tpu.memory_space<hbm>>
      %dma_start3A_628 = tpu.memref_squeeze %dma_start3A_627 : memref<1x256xi32, #tpu.memory_space<hbm>> -> memref<256xi32, #tpu.memory_space<hbm>>
      tpu.enqueue_dma source(%dma_start3A_628 : memref<256xi32, #tpu.memory_space<hbm>>) target(%arg6 : memref<256xi32, #tpu.memory_space<vmem>>) target_semaphore(%arg12 : memref<!tpu.dma_semaphore, #tpu.memory_space<semaphore_mem>>)
    }
    %scan3A_271 = arith.constant 197 : i32
    %dma_wait3A_272 = arith.constant 0 : i32
    %dma_wait3A_273 = arith.constant 0 : i32
    %dma_wait3A_274 = tpu.memref_slice %arg2[%dma_wait3A_272, %dma_wait3A_273] : memref<200x16384xi32, #tpu.memory_space<hbm>> -> memref<1x256xi32, #tpu.memory_space<hbm>>
    %dma_wait3A_275 = tpu.memref_squeeze %dma_wait3A_274 : memref<1x256xi32, #tpu.memory_space<hbm>> -> memref<256xi32, #tpu.memory_space<hbm>>
    %dma_wait3A_276 = arith.constant 0 : i32
    %dma_wait3A_277 = tpu.memref_slice %arg2[%dma_wait3A_272, %dma_wait3A_276] : memref<200x16384xi32, #tpu.memory_space<hbm>> -> memref<1x256xi32, #tpu.memory_space<hbm>>
    %dma_wait3A_278 = tpu.memref_squeeze %dma_wait3A_277 : memref<1x256xi32, #tpu.memory_space<hbm>> -> memref<256xi32, #tpu.memory_space<hbm>>
    tpu.wait_dma2 semaphore(%arg11 : memref<!tpu.dma_semaphore, #tpu.memory_space<semaphore_mem>>) src(%dma_wait3A_278 : memref<256xi32, #tpu.memory_space<hbm>>) dst(%arg5 : memref<256xi32, #tpu.memory_space<vmem>>)
    %dma_start3A_279 = arith.constant 0 : i32
    %dma_start3A_280 = arith.constant 0 : i32
    %dma_start3A_281 = tpu.memref_slice %arg7[%dma_start3A_279, %dma_start3A_280] : memref<256x64xf32, #tpu.memory_space<vmem>> -> memref<128x64xf32, #tpu.memory_space<vmem>>
    %dma_start3A_282 = arith.constant 0 : i32
    %dma_start3A_283 = tpu.memref_slice %arg5[%dma_start3A_282] : memref<256xi32, #tpu.memory_space<vmem>> -> memref<128xi32, #tpu.memory_space<vmem>>
    %dma_start3A_284 = arith.constant 0 : i32
    %dma_start3A_285 = arith.constant 0 : i32
    %dma_start3A_286 = tpu.memref_slice %arg3[%dma_start3A_284, %dma_start3A_285] : memref<1000000x64xf32, #tpu.memory_space<hbm>> -> memref<1000000x64xf32, #tpu.memory_space<hbm>>
    tpu.enqueue_indirect_dma source(%dma_start3A_286 : memref<1000000x64xf32, #tpu.memory_space<hbm>>) target(%dma_start3A_281 : memref<128x64xf32, #tpu.memory_space<vmem>>) offsets(%dma_start3A_283 : memref<128xi32, #tpu.memory_space<vmem>>) semaphore(%arg13 : memref<!tpu.dma_semaphore, #tpu.memory_space<semaphore_mem>>)
    %dma_start3A_287 = arith.constant 128 : i32
    %dma_start3A_288 = arith.constant 0 : i32
    %dma_start3A_289 = tpu.memref_slice %arg7[%dma_start3A_287, %dma_start3A_288] : memref<256x64xf32, #tpu.memory_space<vmem>> -> memref<128x64xf32, #tpu.memory_space<vmem>>
    %dma_start3A_290 = arith.constant 128 : i32
    %dma_start3A_291 = tpu.memref_slice %arg5[%dma_start3A_290] : memref<256xi32, #tpu.memory_space<vmem>> -> memref<128xi32, #tpu.memory_space<vmem>>
    %dma_start3A_292 = arith.constant 0 : i32
    %dma_start3A_293 = arith.constant 0 : i32
    %dma_start3A_294 = tpu.memref_slice %arg3[%dma_start3A_292, %dma_start3A_293] : memref<1000000x64xf32, #tpu.memory_space<hbm>> -> memref<1000000x64xf32, #tpu.memory_space<hbm>>
    tpu.enqueue_indirect_dma source(%dma_start3A_294 : memref<1000000x64xf32, #tpu.memory_space<hbm>>) target(%dma_start3A_289 : memref<128x64xf32, #tpu.memory_space<vmem>>) offsets(%dma_start3A_291 : memref<128xi32, #tpu.memory_space<vmem>>) semaphore(%arg13 : memref<!tpu.dma_semaphore, #tpu.memory_space<semaphore_mem>>)
    %dma_wait3A_295 = arith.constant 0 : i32
    %dma_wait3A_296 = arith.constant 0 : i32
    %dma_wait3A_297 = arith.constant 0 : i32
    %dma_wait3A_298 = arith.constant 0 : i32
    %dma_wait3A_299 = arith.constant 0 : i32
    %dma_wait3A_300 = tpu.memref_slice %arg4[%dma_wait3A_295, %dma_wait3A_296, %dma_wait3A_297, %dma_wait3A_298, %dma_wait3A_299] : memref<200x8x128x8x128xf32, #tpu.memory_space<hbm>> -> memref<1x8x2x8x128xf32, #tpu.memory_space<hbm>>
    %dma_wait3A_301 = tpu.memref_squeeze %dma_wait3A_300 : memref<1x8x2x8x128xf32, #tpu.memory_space<hbm>> -> memref<8x2x8x128xf32, #tpu.memory_space<hbm>>
    %dma_wait3A_302 = arith.constant 0 : i32
    %dma_wait3A_303 = arith.constant 0 : i32
    %dma_wait3A_304 = arith.constant 0 : i32
    %dma_wait3A_305 = arith.constant 0 : i32
    %dma_wait3A_306 = tpu.memref_slice %arg4[%dma_wait3A_295, %dma_wait3A_302, %dma_wait3A_303, %dma_wait3A_304, %dma_wait3A_305] : memref<200x8x128x8x128xf32, #tpu.memory_space<hbm>> -> memref<1x8x2x8x128xf32, #tpu.memory_space<hbm>>
    %dma_wait3A_307 = tpu.memref_squeeze %dma_wait3A_306 : memref<1x8x2x8x128xf32, #tpu.memory_space<hbm>> -> memref<8x2x8x128xf32, #tpu.memory_space<hbm>>
    tpu.wait_dma2 semaphore(%arg16 : memref<!tpu.dma_semaphore, #tpu.memory_space<semaphore_mem>>) src(%arg10 : memref<8x2x8x128xf32, #tpu.memory_space<vmem>>) dst(%dma_wait3A_307 : memref<8x2x8x128xf32, #tpu.memory_space<hbm>>)
    %scan3A_308 = arith.constant 0 : i32
    %scan3A_309 = arith.constant 16 : i32
    %scan3A_310 = arith.addi %scan3A_308, %scan3A_309 : i32
    %scan3A_311 = arith.constant 1 : i32
    scf.for %scan3A_469 = %scan3A_308 to %scan3A_310 step %scan3A_311  : i32 {
      %mul3A_470 = arith.constant 1 : i32
      %mul3A_471 = arith.muli %scan3A_469, %mul3A_470 : i32
      %add3A_472 = arith.constant 0 : i32
      %add3A_473 = arith.addi %add3A_472, %mul3A_471 : i32
      %mul3A_474 = arith.constant 16 : i32
      %mul3A_475 = arith.muli %add3A_473, %mul3A_474 : i32
      %add3A_476 = vector.broadcast %mul3A_475 : i32 to vector<16xi32>
      %add3A_477 = arith.addi %add3A_476, %iota3A : vector<16xi32>
      %jit3A = arith.constant 8 : i32
      %div3A = arith.divsi %add3A_473, %jit3A : i32
      %sign3A = arith.constant 0 : i32
      %sign3A_478 = arith.cmpi sgt, %add3A_473, %sign3A : i32
      %sign3A_479 = arith.extui %sign3A_478 : i1 to i32
      %sign3A_480 = arith.constant 0 : i32
      %sign3A_481 = arith.cmpi slt, %add3A_473, %sign3A_480 : i32
      %sign3A_482 = arith.extui %sign3A_481 : i1 to i32
      %sign3A_483 = arith.subi %sign3A_479, %sign3A_482 : i32
      %sign3A_484 = arith.constant 0 : i32
      %sign3A_485 = arith.cmpi sgt, %jit3A, %sign3A_484 : i32
      %sign3A_486 = arith.extui %sign3A_485 : i1 to i32
      %sign3A_487 = arith.constant 0 : i32
      %sign3A_488 = arith.cmpi slt, %jit3A, %sign3A_487 : i32
      %sign3A_489 = arith.extui %sign3A_488 : i1 to i32
      %sign3A_490 = arith.subi %sign3A_486, %sign3A_489 : i32
      %ne3A = arith.cmpi ne, %sign3A_483, %sign3A_490 : i32
      %rem3A = arith.remsi %add3A_473, %jit3A : i32
      %ne3A_491 = arith.constant 0 : i32
      %ne3A_492 = arith.cmpi ne, %rem3A, %ne3A_491 : i32
      %and3A = arith.andi %ne3A, %ne3A_492 : i1
      %sub3A = arith.constant 1 : i32
      %sub3A_493 = arith.subi %div3A, %sub3A : i32
      %select_n3A = arith.select %and3A, %sub3A_493, %div3A : i32
      %jit3A_494 = arith.constant 8 : i32
      %eq3A = arith.constant 0 : i32
      %eq3A_495 = arith.cmpi eq, %jit3A_494, %eq3A : i32
      %jit3A_496 = arith.constant 1 : i32
      %select_n3A_497 = arith.select %eq3A_495, %jit3A_496, %jit3A_494 : i32
      %rem3A_498 = arith.remsi %add3A_473, %select_n3A_497 : i32
      %ne3A_499 = arith.constant 0 : i32
      %ne3A_500 = arith.cmpi ne, %rem3A_498, %ne3A_499 : i32
      %lt3A = arith.constant 0 : i32
      %lt3A_501 = arith.cmpi slt, %rem3A_498, %lt3A : i32
      %lt3A_502 = arith.constant 0 : i32
      %lt3A_503 = arith.cmpi slt, %select_n3A_497, %lt3A_502 : i32
      %ne3A_504 = arith.xori %lt3A_501, %lt3A_503 : i1
      %and3A_505 = arith.andi %ne3A_504, %ne3A_500 : i1
      %add3A_506 = arith.addi %rem3A_498, %select_n3A_497 : i32
      %select_n3A_507 = arith.select %and3A_505, %add3A_506, %rem3A_498 : i32
      %mul3A_508 = arith.constant 16 : i32
      %mul3A_509 = arith.muli %select_n3A_507, %mul3A_508 : i32
      %broadcast_in_dim3A = arith.constant 0 : i32
      %broadcast_in_dim3A_510 = vector.broadcast %broadcast_in_dim3A : i32 to vector<16xi32>
      %parallel_loop3A = arith.constant 0 : i32
      %parallel_loop3A_511 = arith.constant 64 : i32
      %parallel_loop3A_512 = arith.constant 1 : i32
      %parallel_loop3A_513 = scf.for %parallel_loop3A_514 = %parallel_loop3A to %parallel_loop3A_511 step %parallel_loop3A_512 iter_args(%parallel_loop3A_515 = %broadcast_in_dim3A_510) -> (vector<16xi32>)  : i32 {
        %parallel_loop3A_516 = tpu.vector_load_idx %arg8[%add3A_477, %parallel_loop3A_515] : memref<256x64xf32, #tpu.memory_space<vmem>>[vector<16xi32>, vector<16xi32>], vector<16xf32>,
        %parallel_loop3A_517 = arith.constant 8 : i32
        %parallel_loop3A_518 = arith.divsi %parallel_loop3A_514, %parallel_loop3A_517 : i32
        %parallel_loop3A_519 = arith.constant 0 : i32
        %parallel_loop3A_520 = arith.cmpi sgt, %parallel_loop3A_514, %parallel_loop3A_519 : i32
        %parallel_loop3A_521 = arith.extui %parallel_loop3A_520 : i1 to i32
        %parallel_loop3A_522 = arith.constant 0 : i32
        %parallel_loop3A_523 = arith.cmpi slt, %parallel_loop3A_514, %parallel_loop3A_522 : i32
        %parallel_loop3A_524 = arith.extui %parallel_loop3A_523 : i1 to i32
        %parallel_loop3A_525 = arith.subi %parallel_loop3A_521, %parallel_loop3A_524 : i32
        %parallel_loop3A_526 = arith.constant 0 : i32
        %parallel_loop3A_527 = arith.cmpi sgt, %parallel_loop3A_517, %parallel_loop3A_526 : i32
        %parallel_loop3A_528 = arith.extui %parallel_loop3A_527 : i1 to i32
        %parallel_loop3A_529 = arith.constant 0 : i32
        %parallel_loop3A_530 = arith.cmpi slt, %parallel_loop3A_517, %parallel_loop3A_529 : i32
        %parallel_loop3A_531 = arith.extui %parallel_loop3A_530 : i1 to i32
        %parallel_loop3A_532 = arith.subi %parallel_loop3A_528, %parallel_loop3A_531 : i32
        %parallel_loop3A_533 = arith.cmpi ne, %parallel_loop3A_525, %parallel_loop3A_532 : i32
        %parallel_loop3A_534 = arith.remsi %parallel_loop3A_514, %parallel_loop3A_517 : i32
        %parallel_loop3A_535 = arith.constant 0 : i32
        %parallel_loop3A_536 = arith.cmpi ne, %parallel_loop3A_534, %parallel_loop3A_535 : i32
        %parallel_loop3A_537 = arith.andi %parallel_loop3A_533, %parallel_loop3A_536 : i1
        %parallel_loop3A_538 = arith.constant 1 : i32
        %parallel_loop3A_539 = arith.subi %parallel_loop3A_518, %parallel_loop3A_538 : i32
        %parallel_loop3A_540 = arith.select %parallel_loop3A_537, %parallel_loop3A_539, %parallel_loop3A_518 : i32
        %parallel_loop3A_541 = arith.constant 8 : i32
        %parallel_loop3A_542 = arith.constant 0 : i32
        %parallel_loop3A_543 = arith.cmpi eq, %parallel_loop3A_541, %parallel_loop3A_542 : i32
        %parallel_loop3A_544 = arith.constant 1 : i32
        %parallel_loop3A_545 = arith.select %parallel_loop3A_543, %parallel_loop3A_544, %parallel_loop3A_541 : i32
        %parallel_loop3A_546 = arith.remsi %parallel_loop3A_514, %parallel_loop3A_545 : i32
        %parallel_loop3A_547 = arith.constant 0 : i32
        %parallel_loop3A_548 = arith.cmpi ne, %parallel_loop3A_546, %parallel_loop3A_547 : i32
        %parallel_loop3A_549 = arith.constant 0 : i32
        %parallel_loop3A_550 = arith.cmpi slt, %parallel_loop3A_546, %parallel_loop3A_549 : i32
        %parallel_loop3A_551 = arith.constant 0 : i32
        %parallel_loop3A_552 = arith.cmpi slt, %parallel_loop3A_545, %parallel_loop3A_551 : i32
        %parallel_loop3A_553 = arith.xori %parallel_loop3A_550, %parallel_loop3A_552 : i1
        %parallel_loop3A_554 = arith.andi %parallel_loop3A_553, %parallel_loop3A_548 : i1
        %parallel_loop3A_555 = arith.addi %parallel_loop3A_546, %parallel_loop3A_545 : i32
        %parallel_loop3A_556 = arith.select %parallel_loop3A_554, %parallel_loop3A_555, %parallel_loop3A_546 : i32
        %parallel_loop3A_557 = arith.index_cast %parallel_loop3A_540 : i32 to index
        %parallel_loop3A_558 = arith.index_cast %select_n3A : i32 to index
        %parallel_loop3A_559 = arith.index_cast %parallel_loop3A_556 : i32 to index
        %parallel_loop3A_560 = arith.index_cast %mul3A_509 : i32 to index
        %parallel_loop3A_561 = tpu.vector_load %arg10[%parallel_loop3A_557, %parallel_loop3A_558, %parallel_loop3A_559, %parallel_loop3A_560] {strides = array<i32>} : memref<8x2x8x128xf32, #tpu.memory_space<vmem>>, vector<16xf32>,
        tpu.vector_store %arg10[%parallel_loop3A_557, %parallel_loop3A_558, %parallel_loop3A_559, %parallel_loop3A_560], %parallel_loop3A_516 {strides = array<i32>} : memref<8x2x8x128xf32, #tpu.memory_space<vmem>>, vector<16xf32>,
        %parallel_loop3A_562 = arith.constant 1 : i32
        %parallel_loop3A_563 = vector.broadcast %parallel_loop3A_562 : i32 to vector<16xi32>
        %parallel_loop3A_564 = arith.addi %parallel_loop3A_515, %parallel_loop3A_563 : vector<16xi32>
        scf.yield %parallel_loop3A_564 : vector<16xi32>
      } {sc.loop_unroll_factor = 8 : i64, sc.parallel_access}
    }
    %scan3A_312 = arith.constant 16 : i32
    %add3A_313 = arith.constant 2 : i32
    %add3A_314 = arith.addi %mul3A_4, %add3A_313 : i32
    %dma_start3A_315 = arith.constant 198 : i32
    %dma_start3A_316 = arith.constant 0 : i32
    %dma_start3A_317 = arith.constant 0 : i32
    %dma_start3A_318 = arith.constant 0 : i32
    %dma_start3A_319 = tpu.memref_slice %arg4[%dma_start3A_315, %dma_start3A_316, %add3A_314, %dma_start3A_317, %dma_start3A_318] : memref<200x8x128x8x128xf32, #tpu.memory_space<hbm>> -> memref<1x8x2x8x128xf32, #tpu.memory_space<hbm>>
    %dma_start3A_320 = tpu.memref_squeeze %dma_start3A_319 : memref<1x8x2x8x128xf32, #tpu.memory_space<hbm>> -> memref<8x2x8x128xf32, #tpu.memory_space<hbm>>
    %dma_start3A_321 = arith.constant 0 : i32
    %dma_start3A_322 = arith.constant 0 : i32
    %dma_start3A_323 = arith.constant 0 : i32
    %dma_start3A_324 = tpu.memref_slice %arg4[%dma_start3A_315, %dma_start3A_321, %add3A_314, %dma_start3A_322, %dma_start3A_323] : memref<200x8x128x8x128xf32, #tpu.memory_space<hbm>> -> memref<1x8x2x8x128xf32, #tpu.memory_space<hbm>>
    %dma_start3A_325 = tpu.memref_squeeze %dma_start3A_324 : memref<1x8x2x8x128xf32, #tpu.memory_space<hbm>> -> memref<8x2x8x128xf32, #tpu.memory_space<hbm>>
    tpu.enqueue_dma source(%arg10 : memref<8x2x8x128xf32, #tpu.memory_space<vmem>>) target(%dma_start3A_325 : memref<8x2x8x128xf32, #tpu.memory_space<hbm>>) target_semaphore(%arg16 : memref<!tpu.dma_semaphore, #tpu.memory_space<semaphore_mem>>)
    %dma_wait3A_326 = arith.constant 0 : i32
    %dma_wait3A_327 = arith.constant 0 : i32
    %dma_wait3A_328 = tpu.memref_slice %arg7[%dma_wait3A_326, %dma_wait3A_327] : memref<256x64xf32, #tpu.memory_space<vmem>> -> memref<128x64xf32, #tpu.memory_space<vmem>>
    %dma_wait3A_329 = arith.constant 0 : i32
    %dma_wait3A_330 = tpu.memref_slice %arg5[%dma_wait3A_329] : memref<256xi32, #tpu.memory_space<vmem>> -> memref<128xi32, #tpu.memory_space<vmem>>
    %dma_wait3A_331 = arith.constant 0 : i32
    %dma_wait3A_332 = arith.constant 0 : i32
    %dma_wait3A_333 = tpu.memref_slice %arg3[%dma_wait3A_331, %dma_wait3A_332] : memref<1000000x64xf32, #tpu.memory_space<hbm>> -> memref<1000000x64xf32, #tpu.memory_space<hbm>>
    tpu.wait_indirect_dma semaphore(%arg13 : memref<!tpu.dma_semaphore, #tpu.memory_space<semaphore_mem>>) src(%dma_wait3A_333 : memref<1000000x64xf32, #tpu.memory_space<hbm>>) dst(%dma_wait3A_328 : memref<128x64xf32, #tpu.memory_space<vmem>>)
    %dma_wait3A_334 = arith.constant 128 : i32
    %dma_wait3A_335 = arith.constant 0 : i32
    %dma_wait3A_336 = tpu.memref_slice %arg7[%dma_wait3A_334, %dma_wait3A_335] : memref<256x64xf32, #tpu.memory_space<vmem>> -> memref<128x64xf32, #tpu.memory_space<vmem>>
    %dma_wait3A_337 = arith.constant 128 : i32
    %dma_wait3A_338 = tpu.memref_slice %arg5[%dma_wait3A_337] : memref<256xi32, #tpu.memory_space<vmem>> -> memref<128xi32, #tpu.memory_space<vmem>>
    %dma_wait3A_339 = arith.constant 0 : i32
    %dma_wait3A_340 = arith.constant 0 : i32
    %dma_wait3A_341 = tpu.memref_slice %arg3[%dma_wait3A_339, %dma_wait3A_340] : memref<1000000x64xf32, #tpu.memory_space<hbm>> -> memref<1000000x64xf32, #tpu.memory_space<hbm>>
    tpu.wait_indirect_dma semaphore(%arg13 : memref<!tpu.dma_semaphore, #tpu.memory_space<semaphore_mem>>) src(%dma_wait3A_341 : memref<1000000x64xf32, #tpu.memory_space<hbm>>) dst(%dma_wait3A_336 : memref<128x64xf32, #tpu.memory_space<vmem>>)
    %dma_wait3A_342 = arith.constant 0 : i32
    %dma_wait3A_343 = arith.constant 0 : i32
    %dma_wait3A_344 = tpu.memref_slice %arg2[%dma_wait3A_342, %dma_wait3A_343] : memref<200x16384xi32, #tpu.memory_space<hbm>> -> memref<1x256xi32, #tpu.memory_space<hbm>>
    %dma_wait3A_345 = tpu.memref_squeeze %dma_wait3A_344 : memref<1x256xi32, #tpu.memory_space<hbm>> -> memref<256xi32, #tpu.memory_space<hbm>>
    %dma_wait3A_346 = arith.constant 0 : i32
    %dma_wait3A_347 = tpu.memref_slice %arg2[%dma_wait3A_342, %dma_wait3A_346] : memref<200x16384xi32, #tpu.memory_space<hbm>> -> memref<1x256xi32, #tpu.memory_space<hbm>>
    %dma_wait3A_348 = tpu.memref_squeeze %dma_wait3A_347 : memref<1x256xi32, #tpu.memory_space<hbm>> -> memref<256xi32, #tpu.memory_space<hbm>>
    tpu.wait_dma2 semaphore(%arg12 : memref<!tpu.dma_semaphore, #tpu.memory_space<semaphore_mem>>) src(%dma_wait3A_348 : memref<256xi32, #tpu.memory_space<hbm>>) dst(%arg6 : memref<256xi32, #tpu.memory_space<vmem>>)
    %dma_start3A_349 = arith.constant 0 : i32
    %dma_start3A_350 = arith.constant 0 : i32
    %dma_start3A_351 = tpu.memref_slice %arg8[%dma_start3A_349, %dma_start3A_350] : memref<256x64xf32, #tpu.memory_space<vmem>> -> memref<128x64xf32, #tpu.memory_space<vmem>>
    %dma_start3A_352 = arith.constant 0 : i32
    %dma_start3A_353 = tpu.memref_slice %arg6[%dma_start3A_352] : memref<256xi32, #tpu.memory_space<vmem>> -> memref<128xi32, #tpu.memory_space<vmem>>
    %dma_start3A_354 = arith.constant 0 : i32
    %dma_start3A_355 = arith.constant 0 : i32
    %dma_start3A_356 = tpu.memref_slice %arg3[%dma_start3A_354, %dma_start3A_355] : memref<1000000x64xf32, #tpu.memory_space<hbm>> -> memref<1000000x64xf32, #tpu.memory_space<hbm>>
    tpu.enqueue_indirect_dma source(%dma_start3A_356 : memref<1000000x64xf32, #tpu.memory_space<hbm>>) target(%dma_start3A_351 : memref<128x64xf32, #tpu.memory_space<vmem>>) offsets(%dma_start3A_353 : memref<128xi32, #tpu.memory_space<vmem>>) semaphore(%arg14 : memref<!tpu.dma_semaphore, #tpu.memory_space<semaphore_mem>>)
    %dma_start3A_357 = arith.constant 128 : i32
    %dma_start3A_358 = arith.constant 0 : i32
    %dma_start3A_359 = tpu.memref_slice %arg8[%dma_start3A_357, %dma_start3A_358] : memref<256x64xf32, #tpu.memory_space<vmem>> -> memref<128x64xf32, #tpu.memory_space<vmem>>
    %dma_start3A_360 = arith.constant 128 : i32
    %dma_start3A_361 = tpu.memref_slice %arg6[%dma_start3A_360] : memref<256xi32, #tpu.memory_space<vmem>> -> memref<128xi32, #tpu.memory_space<vmem>>
    %dma_start3A_362 = arith.constant 0 : i32
    %dma_start3A_363 = arith.constant 0 : i32
    %dma_start3A_364 = tpu.memref_slice %arg3[%dma_start3A_362, %dma_start3A_363] : memref<1000000x64xf32, #tpu.memory_space<hbm>> -> memref<1000000x64xf32, #tpu.memory_space<hbm>>
    tpu.enqueue_indirect_dma source(%dma_start3A_364 : memref<1000000x64xf32, #tpu.memory_space<hbm>>) target(%dma_start3A_359 : memref<128x64xf32, #tpu.memory_space<vmem>>) offsets(%dma_start3A_361 : memref<128xi32, #tpu.memory_space<vmem>>) semaphore(%arg14 : memref<!tpu.dma_semaphore, #tpu.memory_space<semaphore_mem>>)
    %dma_wait3A_365 = arith.constant 0 : i32
    %dma_wait3A_366 = arith.constant 0 : i32
    %dma_wait3A_367 = arith.constant 0 : i32
    %dma_wait3A_368 = arith.constant 0 : i32
    %dma_wait3A_369 = arith.constant 0 : i32
    %dma_wait3A_370 = tpu.memref_slice %arg4[%dma_wait3A_365, %dma_wait3A_366, %dma_wait3A_367, %dma_wait3A_368, %dma_wait3A_369] : memref<200x8x128x8x128xf32, #tpu.memory_space<hbm>> -> memref<1x8x2x8x128xf32, #tpu.memory_space<hbm>>
    %dma_wait3A_371 = tpu.memref_squeeze %dma_wait3A_370 : memref<1x8x2x8x128xf32, #tpu.memory_space<hbm>> -> memref<8x2x8x128xf32, #tpu.memory_space<hbm>>
    %dma_wait3A_372 = arith.constant 0 : i32
    %dma_wait3A_373 = arith.constant 0 : i32
    %dma_wait3A_374 = arith.constant 0 : i32
    %dma_wait3A_375 = arith.constant 0 : i32
    %dma_wait3A_376 = tpu.memref_slice %arg4[%dma_wait3A_365, %dma_wait3A_372, %dma_wait3A_373, %dma_wait3A_374, %dma_wait3A_375] : memref<200x8x128x8x128xf32, #tpu.memory_space<hbm>> -> memref<1x8x2x8x128xf32, #tpu.memory_space<hbm>>
    %dma_wait3A_377 = tpu.memref_squeeze %dma_wait3A_376 : memref<1x8x2x8x128xf32, #tpu.memory_space<hbm>> -> memref<8x2x8x128xf32, #tpu.memory_space<hbm>>
    tpu.wait_dma2 semaphore(%arg15 : memref<!tpu.dma_semaphore, #tpu.memory_space<semaphore_mem>>) src(%arg9 : memref<8x2x8x128xf32, #tpu.memory_space<vmem>>) dst(%dma_wait3A_377 : memref<8x2x8x128xf32, #tpu.memory_space<hbm>>)
    %scan3A_378 = arith.constant 0 : i32
    %scan3A_379 = arith.constant 16 : i32
    %scan3A_380 = arith.addi %scan3A_378, %scan3A_379 : i32
    %scan3A_381 = arith.constant 1 : i32
    scf.for %scan3A_469 = %scan3A_378 to %scan3A_380 step %scan3A_381  : i32 {
      %mul3A_470 = arith.constant 1 : i32
      %mul3A_471 = arith.muli %scan3A_469, %mul3A_470 : i32
      %add3A_472 = arith.constant 0 : i32
      %add3A_473 = arith.addi %add3A_472, %mul3A_471 : i32
      %mul3A_474 = arith.constant 16 : i32
      %mul3A_475 = arith.muli %add3A_473, %mul3A_474 : i32
      %add3A_476 = vector.broadcast %mul3A_475 : i32 to vector<16xi32>
      %add3A_477 = arith.addi %add3A_476, %iota3A : vector<16xi32>
      %jit3A = arith.constant 8 : i32
      %div3A = arith.divsi %add3A_473, %jit3A : i32
      %sign3A = arith.constant 0 : i32
      %sign3A_478 = arith.cmpi sgt, %add3A_473, %sign3A : i32
      %sign3A_479 = arith.extui %sign3A_478 : i1 to i32
      %sign3A_480 = arith.constant 0 : i32
      %sign3A_481 = arith.cmpi slt, %add3A_473, %sign3A_480 : i32
      %sign3A_482 = arith.extui %sign3A_481 : i1 to i32
      %sign3A_483 = arith.subi %sign3A_479, %sign3A_482 : i32
      %sign3A_484 = arith.constant 0 : i32
      %sign3A_485 = arith.cmpi sgt, %jit3A, %sign3A_484 : i32
      %sign3A_486 = arith.extui %sign3A_485 : i1 to i32
      %sign3A_487 = arith.constant 0 : i32
      %sign3A_488 = arith.cmpi slt, %jit3A, %sign3A_487 : i32
      %sign3A_489 = arith.extui %sign3A_488 : i1 to i32
      %sign3A_490 = arith.subi %sign3A_486, %sign3A_489 : i32
      %ne3A = arith.cmpi ne, %sign3A_483, %sign3A_490 : i32
      %rem3A = arith.remsi %add3A_473, %jit3A : i32
      %ne3A_491 = arith.constant 0 : i32
      %ne3A_492 = arith.cmpi ne, %rem3A, %ne3A_491 : i32
      %and3A = arith.andi %ne3A, %ne3A_492 : i1
      %sub3A = arith.constant 1 : i32
      %sub3A_493 = arith.subi %div3A, %sub3A : i32
      %select_n3A = arith.select %and3A, %sub3A_493, %div3A : i32
      %jit3A_494 = arith.constant 8 : i32
      %eq3A = arith.constant 0 : i32
      %eq3A_495 = arith.cmpi eq, %jit3A_494, %eq3A : i32
      %jit3A_496 = arith.constant 1 : i32
      %select_n3A_497 = arith.select %eq3A_495, %jit3A_496, %jit3A_494 : i32
      %rem3A_498 = arith.remsi %add3A_473, %select_n3A_497 : i32
      %ne3A_499 = arith.constant 0 : i32
      %ne3A_500 = arith.cmpi ne, %rem3A_498, %ne3A_499 : i32
      %lt3A = arith.constant 0 : i32
      %lt3A_501 = arith.cmpi slt, %rem3A_498, %lt3A : i32
      %lt3A_502 = arith.constant 0 : i32
      %lt3A_503 = arith.cmpi slt, %select_n3A_497, %lt3A_502 : i32
      %ne3A_504 = arith.xori %lt3A_501, %lt3A_503 : i1
      %and3A_505 = arith.andi %ne3A_504, %ne3A_500 : i1
      %add3A_506 = arith.addi %rem3A_498, %select_n3A_497 : i32
      %select_n3A_507 = arith.select %and3A_505, %add3A_506, %rem3A_498 : i32
      %mul3A_508 = arith.constant 16 : i32
      %mul3A_509 = arith.muli %select_n3A_507, %mul3A_508 : i32
      %broadcast_in_dim3A = arith.constant 0 : i32
      %broadcast_in_dim3A_510 = vector.broadcast %broadcast_in_dim3A : i32 to vector<16xi32>
      %parallel_loop3A = arith.constant 0 : i32
      %parallel_loop3A_511 = arith.constant 64 : i32
      %parallel_loop3A_512 = arith.constant 1 : i32
      %parallel_loop3A_513 = scf.for %parallel_loop3A_514 = %parallel_loop3A to %parallel_loop3A_511 step %parallel_loop3A_512 iter_args(%parallel_loop3A_515 = %broadcast_in_dim3A_510) -> (vector<16xi32>)  : i32 {
        %parallel_loop3A_516 = tpu.vector_load_idx %arg7[%add3A_477, %parallel_loop3A_515] : memref<256x64xf32, #tpu.memory_space<vmem>>[vector<16xi32>, vector<16xi32>], vector<16xf32>,
        %parallel_loop3A_517 = arith.constant 8 : i32
        %parallel_loop3A_518 = arith.divsi %parallel_loop3A_514, %parallel_loop3A_517 : i32
        %parallel_loop3A_519 = arith.constant 0 : i32
        %parallel_loop3A_520 = arith.cmpi sgt, %parallel_loop3A_514, %parallel_loop3A_519 : i32
        %parallel_loop3A_521 = arith.extui %parallel_loop3A_520 : i1 to i32
        %parallel_loop3A_522 = arith.constant 0 : i32
        %parallel_loop3A_523 = arith.cmpi slt, %parallel_loop3A_514, %parallel_loop3A_522 : i32
        %parallel_loop3A_524 = arith.extui %parallel_loop3A_523 : i1 to i32
        %parallel_loop3A_525 = arith.subi %parallel_loop3A_521, %parallel_loop3A_524 : i32
        %parallel_loop3A_526 = arith.constant 0 : i32
        %parallel_loop3A_527 = arith.cmpi sgt, %parallel_loop3A_517, %parallel_loop3A_526 : i32
        %parallel_loop3A_528 = arith.extui %parallel_loop3A_527 : i1 to i32
        %parallel_loop3A_529 = arith.constant 0 : i32
        %parallel_loop3A_530 = arith.cmpi slt, %parallel_loop3A_517, %parallel_loop3A_529 : i32
        %parallel_loop3A_531 = arith.extui %parallel_loop3A_530 : i1 to i32
        %parallel_loop3A_532 = arith.subi %parallel_loop3A_528, %parallel_loop3A_531 : i32
        %parallel_loop3A_533 = arith.cmpi ne, %parallel_loop3A_525, %parallel_loop3A_532 : i32
        %parallel_loop3A_534 = arith.remsi %parallel_loop3A_514, %parallel_loop3A_517 : i32
        %parallel_loop3A_535 = arith.constant 0 : i32
        %parallel_loop3A_536 = arith.cmpi ne, %parallel_loop3A_534, %parallel_loop3A_535 : i32
        %parallel_loop3A_537 = arith.andi %parallel_loop3A_533, %parallel_loop3A_536 : i1
        %parallel_loop3A_538 = arith.constant 1 : i32
        %parallel_loop3A_539 = arith.subi %parallel_loop3A_518, %parallel_loop3A_538 : i32
        %parallel_loop3A_540 = arith.select %parallel_loop3A_537, %parallel_loop3A_539, %parallel_loop3A_518 : i32
        %parallel_loop3A_541 = arith.constant 8 : i32
        %parallel_loop3A_542 = arith.constant 0 : i32
        %parallel_loop3A_543 = arith.cmpi eq, %parallel_loop3A_541, %parallel_loop3A_542 : i32
        %parallel_loop3A_544 = arith.constant 1 : i32
        %parallel_loop3A_545 = arith.select %parallel_loop3A_543, %parallel_loop3A_544, %parallel_loop3A_541 : i32
        %parallel_loop3A_546 = arith.remsi %parallel_loop3A_514, %parallel_loop3A_545 : i32
        %parallel_loop3A_547 = arith.constant 0 : i32
        %parallel_loop3A_548 = arith.cmpi ne, %parallel_loop3A_546, %parallel_loop3A_547 : i32
        %parallel_loop3A_549 = arith.constant 0 : i32
        %parallel_loop3A_550 = arith.cmpi slt, %parallel_loop3A_546, %parallel_loop3A_549 : i32
        %parallel_loop3A_551 = arith.constant 0 : i32
        %parallel_loop3A_552 = arith.cmpi slt, %parallel_loop3A_545, %parallel_loop3A_551 : i32
        %parallel_loop3A_553 = arith.xori %parallel_loop3A_550, %parallel_loop3A_552 : i1
        %parallel_loop3A_554 = arith.andi %parallel_loop3A_553, %parallel_loop3A_548 : i1
        %parallel_loop3A_555 = arith.addi %parallel_loop3A_546, %parallel_loop3A_545 : i32
        %parallel_loop3A_556 = arith.select %parallel_loop3A_554, %parallel_loop3A_555, %parallel_loop3A_546 : i32
        %parallel_loop3A_557 = arith.index_cast %parallel_loop3A_540 : i32 to index
        %parallel_loop3A_558 = arith.index_cast %select_n3A : i32 to index
        %parallel_loop3A_559 = arith.index_cast %parallel_loop3A_556 : i32 to index
        %parallel_loop3A_560 = arith.index_cast %mul3A_509 : i32 to index
        %parallel_loop3A_561 = tpu.vector_load %arg9[%parallel_loop3A_557, %parallel_loop3A_558, %parallel_loop3A_559, %parallel_loop3A_560] {strides = array<i32>} : memref<8x2x8x128xf32, #tpu.memory_space<vmem>>, vector<16xf32>,
        tpu.vector_store %arg9[%parallel_loop3A_557, %parallel_loop3A_558, %parallel_loop3A_559, %parallel_loop3A_560], %parallel_loop3A_516 {strides = array<i32>} : memref<8x2x8x128xf32, #tpu.memory_space<vmem>>, vector<16xf32>,
        %parallel_loop3A_562 = arith.constant 1 : i32
        %parallel_loop3A_563 = vector.broadcast %parallel_loop3A_562 : i32 to vector<16xi32>
        %parallel_loop3A_564 = arith.addi %parallel_loop3A_515, %parallel_loop3A_563 : vector<16xi32>
        scf.yield %parallel_loop3A_564 : vector<16xi32>
      } {sc.loop_unroll_factor = 8 : i64, sc.parallel_access}
    }
    %scan3A_382 = arith.constant 16 : i32
    %add3A_383 = arith.constant 0 : i32
    %add3A_384 = arith.addi %mul3A_4, %add3A_383 : i32
    %dma_start3A_385 = arith.constant 199 : i32
    %dma_start3A_386 = arith.constant 0 : i32
    %dma_start3A_387 = arith.constant 0 : i32
    %dma_start3A_388 = arith.constant 0 : i32
    %dma_start3A_389 = tpu.memref_slice %arg4[%dma_start3A_385, %dma_start3A_386, %add3A_384, %dma_start3A_387, %dma_start3A_388] : memref<200x8x128x8x128xf32, #tpu.memory_space<hbm>> -> memref<1x8x2x8x128xf32, #tpu.memory_space<hbm>>
    %dma_start3A_390 = tpu.memref_squeeze %dma_start3A_389 : memref<1x8x2x8x128xf32, #tpu.memory_space<hbm>> -> memref<8x2x8x128xf32, #tpu.memory_space<hbm>>
    %dma_start3A_391 = arith.constant 0 : i32
    %dma_start3A_392 = arith.constant 0 : i32
    %dma_start3A_393 = arith.constant 0 : i32
    %dma_start3A_394 = tpu.memref_slice %arg4[%dma_start3A_385, %dma_start3A_391, %add3A_384, %dma_start3A_392, %dma_start3A_393] : memref<200x8x128x8x128xf32, #tpu.memory_space<hbm>> -> memref<1x8x2x8x128xf32, #tpu.memory_space<hbm>>
    %dma_start3A_395 = tpu.memref_squeeze %dma_start3A_394 : memref<1x8x2x8x128xf32, #tpu.memory_space<hbm>> -> memref<8x2x8x128xf32, #tpu.memory_space<hbm>>
    tpu.enqueue_dma source(%arg9 : memref<8x2x8x128xf32, #tpu.memory_space<vmem>>) target(%dma_start3A_395 : memref<8x2x8x128xf32, #tpu.memory_space<hbm>>) target_semaphore(%arg15 : memref<!tpu.dma_semaphore, #tpu.memory_space<semaphore_mem>>)
    %dma_wait3A_396 = arith.constant 0 : i32
    %dma_wait3A_397 = arith.constant 0 : i32
    %dma_wait3A_398 = tpu.memref_slice %arg8[%dma_wait3A_396, %dma_wait3A_397] : memref<256x64xf32, #tpu.memory_space<vmem>> -> memref<128x64xf32, #tpu.memory_space<vmem>>
    %dma_wait3A_399 = arith.constant 0 : i32
    %dma_wait3A_400 = tpu.memref_slice %arg6[%dma_wait3A_399] : memref<256xi32, #tpu.memory_space<vmem>> -> memref<128xi32, #tpu.memory_space<vmem>>
    %dma_wait3A_401 = arith.constant 0 : i32
    %dma_wait3A_402 = arith.constant 0 : i32
    %dma_wait3A_403 = tpu.memref_slice %arg3[%dma_wait3A_401, %dma_wait3A_402] : memref<1000000x64xf32, #tpu.memory_space<hbm>> -> memref<1000000x64xf32, #tpu.memory_space<hbm>>
    tpu.wait_indirect_dma semaphore(%arg14 : memref<!tpu.dma_semaphore, #tpu.memory_space<semaphore_mem>>) src(%dma_wait3A_403 : memref<1000000x64xf32, #tpu.memory_space<hbm>>) dst(%dma_wait3A_398 : memref<128x64xf32, #tpu.memory_space<vmem>>)
    %dma_wait3A_404 = arith.constant 128 : i32
    %dma_wait3A_405 = arith.constant 0 : i32
    %dma_wait3A_406 = tpu.memref_slice %arg8[%dma_wait3A_404, %dma_wait3A_405] : memref<256x64xf32, #tpu.memory_space<vmem>> -> memref<128x64xf32, #tpu.memory_space<vmem>>
    %dma_wait3A_407 = arith.constant 128 : i32
    %dma_wait3A_408 = tpu.memref_slice %arg6[%dma_wait3A_407] : memref<256xi32, #tpu.memory_space<vmem>> -> memref<128xi32, #tpu.memory_space<vmem>>
    %dma_wait3A_409 = arith.constant 0 : i32
    %dma_wait3A_410 = arith.constant 0 : i32
    %dma_wait3A_411 = tpu.memref_slice %arg3[%dma_wait3A_409, %dma_wait3A_410] : memref<1000000x64xf32, #tpu.memory_space<hbm>> -> memref<1000000x64xf32, #tpu.memory_space<hbm>>
    tpu.wait_indirect_dma semaphore(%arg14 : memref<!tpu.dma_semaphore, #tpu.memory_space<semaphore_mem>>) src(%dma_wait3A_411 : memref<1000000x64xf32, #tpu.memory_space<hbm>>) dst(%dma_wait3A_406 : memref<128x64xf32, #tpu.memory_space<vmem>>)
    %dma_wait3A_412 = arith.constant 0 : i32
    %dma_wait3A_413 = arith.constant 0 : i32
    %dma_wait3A_414 = arith.constant 0 : i32
    %dma_wait3A_415 = arith.constant 0 : i32
    %dma_wait3A_416 = arith.constant 0 : i32
    %dma_wait3A_417 = tpu.memref_slice %arg4[%dma_wait3A_412, %dma_wait3A_413, %dma_wait3A_414, %dma_wait3A_415, %dma_wait3A_416] : memref<200x8x128x8x128xf32, #tpu.memory_space<hbm>> -> memref<1x8x2x8x128xf32, #tpu.memory_space<hbm>>
    %dma_wait3A_418 = tpu.memref_squeeze %dma_wait3A_417 : memref<1x8x2x8x128xf32, #tpu.memory_space<hbm>> -> memref<8x2x8x128xf32, #tpu.memory_space<hbm>>
    %dma_wait3A_419 = arith.constant 0 : i32
    %dma_wait3A_420 = arith.constant 0 : i32
    %dma_wait3A_421 = arith.constant 0 : i32
    %dma_wait3A_422 = arith.constant 0 : i32
    %dma_wait3A_423 = tpu.memref_slice %arg4[%dma_wait3A_412, %dma_wait3A_419, %dma_wait3A_420, %dma_wait3A_421, %dma_wait3A_422] : memref<200x8x128x8x128xf32, #tpu.memory_space<hbm>> -> memref<1x8x2x8x128xf32, #tpu.memory_space<hbm>>
    %dma_wait3A_424 = tpu.memref_squeeze %dma_wait3A_423 : memref<1x8x2x8x128xf32, #tpu.memory_space<hbm>> -> memref<8x2x8x128xf32, #tpu.memory_space<hbm>>
    tpu.wait_dma2 semaphore(%arg16 : memref<!tpu.dma_semaphore, #tpu.memory_space<semaphore_mem>>) src(%arg10 : memref<8x2x8x128xf32, #tpu.memory_space<vmem>>) dst(%dma_wait3A_424 : memref<8x2x8x128xf32, #tpu.memory_space<hbm>>)
    %scan3A_425 = arith.constant 0 : i32
    %scan3A_426 = arith.constant 16 : i32
    %scan3A_427 = arith.addi %scan3A_425, %scan3A_426 : i32
    %scan3A_428 = arith.constant 1 : i32
    scf.for %scan3A_469 = %scan3A_425 to %scan3A_427 step %scan3A_428  : i32 {
      %mul3A_470 = arith.constant 1 : i32
      %mul3A_471 = arith.muli %scan3A_469, %mul3A_470 : i32
      %add3A_472 = arith.constant 0 : i32
      %add3A_473 = arith.addi %add3A_472, %mul3A_471 : i32
      %mul3A_474 = arith.constant 16 : i32
      %mul3A_475 = arith.muli %add3A_473, %mul3A_474 : i32
      %add3A_476 = vector.broadcast %mul3A_475 : i32 to vector<16xi32>
      %add3A_477 = arith.addi %add3A_476, %iota3A : vector<16xi32>
      %jit3A = arith.constant 8 : i32
      %div3A = arith.divsi %add3A_473, %jit3A : i32
      %sign3A = arith.constant 0 : i32
      %sign3A_478 = arith.cmpi sgt, %add3A_473, %sign3A : i32
      %sign3A_479 = arith.extui %sign3A_478 : i1 to i32
      %sign3A_480 = arith.constant 0 : i32
      %sign3A_481 = arith.cmpi slt, %add3A_473, %sign3A_480 : i32
      %sign3A_482 = arith.extui %sign3A_481 : i1 to i32
      %sign3A_483 = arith.subi %sign3A_479, %sign3A_482 : i32
      %sign3A_484 = arith.constant 0 : i32
      %sign3A_485 = arith.cmpi sgt, %jit3A, %sign3A_484 : i32
      %sign3A_486 = arith.extui %sign3A_485 : i1 to i32
      %sign3A_487 = arith.constant 0 : i32
      %sign3A_488 = arith.cmpi slt, %jit3A, %sign3A_487 : i32
      %sign3A_489 = arith.extui %sign3A_488 : i1 to i32
      %sign3A_490 = arith.subi %sign3A_486, %sign3A_489 : i32
      %ne3A = arith.cmpi ne, %sign3A_483, %sign3A_490 : i32
      %rem3A = arith.remsi %add3A_473, %jit3A : i32
      %ne3A_491 = arith.constant 0 : i32
      %ne3A_492 = arith.cmpi ne, %rem3A, %ne3A_491 : i32
      %and3A = arith.andi %ne3A, %ne3A_492 : i1
      %sub3A = arith.constant 1 : i32
      %sub3A_493 = arith.subi %div3A, %sub3A : i32
      %select_n3A = arith.select %and3A, %sub3A_493, %div3A : i32
      %jit3A_494 = arith.constant 8 : i32
      %eq3A = arith.constant 0 : i32
      %eq3A_495 = arith.cmpi eq, %jit3A_494, %eq3A : i32
      %jit3A_496 = arith.constant 1 : i32
      %select_n3A_497 = arith.select %eq3A_495, %jit3A_496, %jit3A_494 : i32
      %rem3A_498 = arith.remsi %add3A_473, %select_n3A_497 : i32
      %ne3A_499 = arith.constant 0 : i32
      %ne3A_500 = arith.cmpi ne, %rem3A_498, %ne3A_499 : i32
      %lt3A = arith.constant 0 : i32
      %lt3A_501 = arith.cmpi slt, %rem3A_498, %lt3A : i32
      %lt3A_502 = arith.constant 0 : i32
      %lt3A_503 = arith.cmpi slt, %select_n3A_497, %lt3A_502 : i32
      %ne3A_504 = arith.xori %lt3A_501, %lt3A_503 : i1
      %and3A_505 = arith.andi %ne3A_504, %ne3A_500 : i1
      %add3A_506 = arith.addi %rem3A_498, %select_n3A_497 : i32
      %select_n3A_507 = arith.select %and3A_505, %add3A_506, %rem3A_498 : i32
      %mul3A_508 = arith.constant 16 : i32
      %mul3A_509 = arith.muli %select_n3A_507, %mul3A_508 : i32
      %broadcast_in_dim3A = arith.constant 0 : i32
      %broadcast_in_dim3A_510 = vector.broadcast %broadcast_in_dim3A : i32 to vector<16xi32>
      %parallel_loop3A = arith.constant 0 : i32
      %parallel_loop3A_511 = arith.constant 64 : i32
      %parallel_loop3A_512 = arith.constant 1 : i32
      %parallel_loop3A_513 = scf.for %parallel_loop3A_514 = %parallel_loop3A to %parallel_loop3A_511 step %parallel_loop3A_512 iter_args(%parallel_loop3A_515 = %broadcast_in_dim3A_510) -> (vector<16xi32>)  : i32 {
        %parallel_loop3A_516 = tpu.vector_load_idx %arg8[%add3A_477, %parallel_loop3A_515] : memref<256x64xf32, #tpu.memory_space<vmem>>[vector<16xi32>, vector<16xi32>], vector<16xf32>,
        %parallel_loop3A_517 = arith.constant 8 : i32
        %parallel_loop3A_518 = arith.divsi %parallel_loop3A_514, %parallel_loop3A_517 : i32
        %parallel_loop3A_519 = arith.constant 0 : i32
        %parallel_loop3A_520 = arith.cmpi sgt, %parallel_loop3A_514, %parallel_loop3A_519 : i32
        %parallel_loop3A_521 = arith.extui %parallel_loop3A_520 : i1 to i32
        %parallel_loop3A_522 = arith.constant 0 : i32
        %parallel_loop3A_523 = arith.cmpi slt, %parallel_loop3A_514, %parallel_loop3A_522 : i32
        %parallel_loop3A_524 = arith.extui %parallel_loop3A_523 : i1 to i32
        %parallel_loop3A_525 = arith.subi %parallel_loop3A_521, %parallel_loop3A_524 : i32
        %parallel_loop3A_526 = arith.constant 0 : i32
        %parallel_loop3A_527 = arith.cmpi sgt, %parallel_loop3A_517, %parallel_loop3A_526 : i32
        %parallel_loop3A_528 = arith.extui %parallel_loop3A_527 : i1 to i32
        %parallel_loop3A_529 = arith.constant 0 : i32
        %parallel_loop3A_530 = arith.cmpi slt, %parallel_loop3A_517, %parallel_loop3A_529 : i32
        %parallel_loop3A_531 = arith.extui %parallel_loop3A_530 : i1 to i32
        %parallel_loop3A_532 = arith.subi %parallel_loop3A_528, %parallel_loop3A_531 : i32
        %parallel_loop3A_533 = arith.cmpi ne, %parallel_loop3A_525, %parallel_loop3A_532 : i32
        %parallel_loop3A_534 = arith.remsi %parallel_loop3A_514, %parallel_loop3A_517 : i32
        %parallel_loop3A_535 = arith.constant 0 : i32
        %parallel_loop3A_536 = arith.cmpi ne, %parallel_loop3A_534, %parallel_loop3A_535 : i32
        %parallel_loop3A_537 = arith.andi %parallel_loop3A_533, %parallel_loop3A_536 : i1
        %parallel_loop3A_538 = arith.constant 1 : i32
        %parallel_loop3A_539 = arith.subi %parallel_loop3A_518, %parallel_loop3A_538 : i32
        %parallel_loop3A_540 = arith.select %parallel_loop3A_537, %parallel_loop3A_539, %parallel_loop3A_518 : i32
        %parallel_loop3A_541 = arith.constant 8 : i32
        %parallel_loop3A_542 = arith.constant 0 : i32
        %parallel_loop3A_543 = arith.cmpi eq, %parallel_loop3A_541, %parallel_loop3A_542 : i32
        %parallel_loop3A_544 = arith.constant 1 : i32
        %parallel_loop3A_545 = arith.select %parallel_loop3A_543, %parallel_loop3A_544, %parallel_loop3A_541 : i32
        %parallel_loop3A_546 = arith.remsi %parallel_loop3A_514, %parallel_loop3A_545 : i32
        %parallel_loop3A_547 = arith.constant 0 : i32
        %parallel_loop3A_548 = arith.cmpi ne, %parallel_loop3A_546, %parallel_loop3A_547 : i32
        %parallel_loop3A_549 = arith.constant 0 : i32
        %parallel_loop3A_550 = arith.cmpi slt, %parallel_loop3A_546, %parallel_loop3A_549 : i32
        %parallel_loop3A_551 = arith.constant 0 : i32
        %parallel_loop3A_552 = arith.cmpi slt, %parallel_loop3A_545, %parallel_loop3A_551 : i32
        %parallel_loop3A_553 = arith.xori %parallel_loop3A_550, %parallel_loop3A_552 : i1
        %parallel_loop3A_554 = arith.andi %parallel_loop3A_553, %parallel_loop3A_548 : i1
        %parallel_loop3A_555 = arith.addi %parallel_loop3A_546, %parallel_loop3A_545 : i32
        %parallel_loop3A_556 = arith.select %parallel_loop3A_554, %parallel_loop3A_555, %parallel_loop3A_546 : i32
        %parallel_loop3A_557 = arith.index_cast %parallel_loop3A_540 : i32 to index
        %parallel_loop3A_558 = arith.index_cast %select_n3A : i32 to index
        %parallel_loop3A_559 = arith.index_cast %parallel_loop3A_556 : i32 to index
        %parallel_loop3A_560 = arith.index_cast %mul3A_509 : i32 to index
        %parallel_loop3A_561 = tpu.vector_load %arg10[%parallel_loop3A_557, %parallel_loop3A_558, %parallel_loop3A_559, %parallel_loop3A_560] {strides = array<i32>} : memref<8x2x8x128xf32, #tpu.memory_space<vmem>>, vector<16xf32>,
        tpu.vector_store %arg10[%parallel_loop3A_557, %parallel_loop3A_558, %parallel_loop3A_559, %parallel_loop3A_560], %parallel_loop3A_516 {strides = array<i32>} : memref<8x2x8x128xf32, #tpu.memory_space<vmem>>, vector<16xf32>,
        %parallel_loop3A_562 = arith.constant 1 : i32
        %parallel_loop3A_563 = vector.broadcast %parallel_loop3A_562 : i32 to vector<16xi32>
        %parallel_loop3A_564 = arith.addi %parallel_loop3A_515, %parallel_loop3A_563 : vector<16xi32>
        scf.yield %parallel_loop3A_564 : vector<16xi32>
      } {sc.loop_unroll_factor = 8 : i64, sc.parallel_access}
    }
    %scan3A_429 = arith.constant 16 : i32
    %add3A_430 = arith.constant 2 : i32
    %add3A_431 = arith.addi %mul3A_4, %add3A_430 : i32
    %dma_start3A_432 = arith.constant 199 : i32
    %dma_start3A_433 = arith.constant 0 : i32
    %dma_start3A_434 = arith.constant 0 : i32
    %dma_start3A_435 = arith.constant 0 : i32
    %dma_start3A_436 = tpu.memref_slice %arg4[%dma_start3A_432, %dma_start3A_433, %add3A_431, %dma_start3A_434, %dma_start3A_435] : memref<200x8x128x8x128xf32, #tpu.memory_space<hbm>> -> memref<1x8x2x8x128xf32, #tpu.memory_space<hbm>>
    %dma_start3A_437 = tpu.memref_squeeze %dma_start3A_436 : memref<1x8x2x8x128xf32, #tpu.memory_space<hbm>> -> memref<8x2x8x128xf32, #tpu.memory_space<hbm>>
    %dma_start3A_438 = arith.constant 0 : i32
    %dma_start3A_439 = arith.constant 0 : i32
    %dma_start3A_440 = arith.constant 0 : i32
    %dma_start3A_441 = tpu.memref_slice %arg4[%dma_start3A_432, %dma_start3A_438, %add3A_431, %dma_start3A_439, %dma_start3A_440] : memref<200x8x128x8x128xf32, #tpu.memory_space<hbm>> -> memref<1x8x2x8x128xf32, #tpu.memory_space<hbm>>
    %dma_start3A_442 = tpu.memref_squeeze %dma_start3A_441 : memref<1x8x2x8x128xf32, #tpu.memory_space<hbm>> -> memref<8x2x8x128xf32, #tpu.memory_space<hbm>>
    tpu.enqueue_dma source(%arg10 : memref<8x2x8x128xf32, #tpu.memory_space<vmem>>) target(%dma_start3A_442 : memref<8x2x8x128xf32, #tpu.memory_space<hbm>>) target_semaphore(%arg16 : memref<!tpu.dma_semaphore, #tpu.memory_space<semaphore_mem>>)
    %dma_wait3A_443 = arith.constant 0 : i32
    %dma_wait3A_444 = arith.constant 0 : i32
    %dma_wait3A_445 = arith.constant 0 : i32
    %dma_wait3A_446 = arith.constant 0 : i32
    %dma_wait3A_447 = arith.constant 0 : i32
    %dma_wait3A_448 = tpu.memref_slice %arg4[%dma_wait3A_443, %dma_wait3A_444, %dma_wait3A_445, %dma_wait3A_446, %dma_wait3A_447] : memref<200x8x128x8x128xf32, #tpu.memory_space<hbm>> -> memref<1x8x2x8x128xf32, #tpu.memory_space<hbm>>
    %dma_wait3A_449 = tpu.memref_squeeze %dma_wait3A_448 : memref<1x8x2x8x128xf32, #tpu.memory_space<hbm>> -> memref<8x2x8x128xf32, #tpu.memory_space<hbm>>
    %dma_wait3A_450 = arith.constant 0 : i32
    %dma_wait3A_451 = arith.constant 0 : i32
    %dma_wait3A_452 = arith.constant 0 : i32
    %dma_wait3A_453 = arith.constant 0 : i32
    %dma_wait3A_454 = tpu.memref_slice %arg4[%dma_wait3A_443, %dma_wait3A_450, %dma_wait3A_451, %dma_wait3A_452, %dma_wait3A_453] : memref<200x8x128x8x128xf32, #tpu.memory_space<hbm>> -> memref<1x8x2x8x128xf32, #tpu.memory_space<hbm>>
    %dma_wait3A_455 = tpu.memref_squeeze %dma_wait3A_454 : memref<1x8x2x8x128xf32, #tpu.memory_space<hbm>> -> memref<8x2x8x128xf32, #tpu.memory_space<hbm>>
    tpu.wait_dma2 semaphore(%arg15 : memref<!tpu.dma_semaphore, #tpu.memory_space<semaphore_mem>>) src(%arg9 : memref<8x2x8x128xf32, #tpu.memory_space<vmem>>) dst(%dma_wait3A_455 : memref<8x2x8x128xf32, #tpu.memory_space<hbm>>)
    %dma_wait3A_456 = arith.constant 0 : i32
    %dma_wait3A_457 = arith.constant 0 : i32
    %dma_wait3A_458 = arith.constant 0 : i32
    %dma_wait3A_459 = arith.constant 0 : i32
    %dma_wait3A_460 = arith.constant 0 : i32
    %dma_wait3A_461 = tpu.memref_slice %arg4[%dma_wait3A_456, %dma_wait3A_457, %dma_wait3A_458, %dma_wait3A_459, %dma_wait3A_460] : memref<200x8x128x8x128xf32, #tpu.memory_space<hbm>> -> memref<1x8x2x8x128xf32, #tpu.memory_space<hbm>>
    %dma_wait3A_462 = tpu.memref_squeeze %dma_wait3A_461 : memref<1x8x2x8x128xf32, #tpu.memory_space<hbm>> -> memref<8x2x8x128xf32, #tpu.memory_space<hbm>>
    %dma_wait3A_463 = arith.constant 0 : i32
    %dma_wait3A_464 = arith.constant 0 : i32
    %dma_wait3A_465 = arith.constant 0 : i32
    %dma_wait3A_466 = arith.constant 0 : i32
    %dma_wait3A_467 = tpu.memref_slice %arg4[%dma_wait3A_456, %dma_wait3A_463, %dma_wait3A_464, %dma_wait3A_465, %dma_wait3A_466] : memref<200x8x128x8x128xf32, #tpu.memory_space<hbm>> -> memref<1x8x2x8x128xf32, #tpu.memory_space<hbm>>
    %dma_wait3A_468 = tpu.memref_squeeze %dma_wait3A_467 : memref<1x8x2x8x128xf32, #tpu.memory_space<hbm>> -> memref<8x2x8x128xf32, #tpu.memory_space<hbm>>
    tpu.wait_dma2 semaphore(%arg16 : memref<!tpu.dma_semaphore, #tpu.memory_space<semaphore_mem>>) src(%arg10 : memref<8x2x8x128xf32, #tpu.memory_space<vmem>>) dst(%dma_wait3A_468 : memref<8x2x8x128xf32, #tpu.memory_space<hbm>>)
    return
  }
}

</mosaic_0001>

<sc_bundles>
// kernel: kernel.3.cloned.1.call-start
scs
__scs_entry_jumppad:
0x0: {  	(pc) =	sbr.rel $0x88, $3  }
0x1: {  	(tag) =	ssettag $0x0;
	lr =	simm.s32 $0x1  }
0x2: {  	[smem:$0x3F9F] =	sst lr;
	_ =	strace $0xD0000000  }
0x3: {  	_ = 	snop  }
0x4: {  	_ = 	snop  }
0x5: {  	_ = 	snop  }
0x6: {  	_ = 	snop  }
0x7: {  	_ = 	snop  }
__scs_overlays_trampoline_lowered:
0x8: {  	[smem:$0x3FAE] =	sst s0  }
0x9: {  	[smem:$0x3FAF] =	sst s1  }
0xa: {  	[smem:$0x3FB0] =	sst s2  }
0xb: {  	[smem:$0x3FB1] =	sst s3  }
0xc: {  	[smem:$0x3FB2] =	sst s4  }
0xd: {  	[smem:$0x3FB3] =	sst s5  }
0xe: {  	[smem:$0x3FB4] =	sst s6  }
0xf: {  	[smem:$0x3FB5] =	sst s7  }
0x10: {  	[smem:$0x3FB6] =	sst s8  }
0x11: {  	[smem:$0x3FB7] =	sst s9;
	s0 =	simm.s32 @!p0 $0x0  }
0x12: {  	s1 =	sld [smem:$0x3F9D];
	s0 =	simm.s32 @p0 $0x1  }
0x13: {  	[smem:$0x3FB8] =	sst s0;
	s0 =	simm.s32 @!p1 $0x0  }
0x14: {  	s2 =	sld [smem:$0x3F9C];
	s0 =	simm.s32 @p1 $0x1  }
0x15: {  	[smem:$0x3FB9] =	sst s0;
	s0 =	simm.s32 @!p2 $0x0  }
0x16: {  	s3 =	sld [smem:$0x3FDB];
	s0 =	simm.s32 @p2 $0x1  }
0x17: {  	s4 =	simm.s32 $0x1BF5;
	[smem:$0x3FBB] =	sst s0  }
0x18: {  	s0 =	sld [smem:$0x3F9E];
	_ =	swait.ge [sflag:s4], $0x0  }
0x19: {  	s7 =	sld [smem:$0x3F9F]  }
0x1a: {  	s8 =	sadd.s32 $0xFFFFE003, lr  }
0x1b: {  	s9 =	sadd.s32 $0xFFFFFEF7, lr;
	s5 =	simm.s32 $0xFFFFFFFF;
	p2 =	slt.u32 s8, $0xFFFFF086  }
0x1c: {  	p1 =	slt.u32 s9, $0xF7A;
	s5 =	simm.s32 @!p2 $0x0  }
0x1d: {  	s5 =	simm.s32 @p1 $0x1;
	p0 =	seq.s32 s7, s2  }
0x1e: {  	s7 =	smul.u32 @!p0 $0xF7A, s2;
	p2 =	seq.s32 @!p0 s5, $0x0  }
0x1f: {  	s9 =	smul.u32 $0xF7A, s1;
	s8 =	simm.s32 @!p0 $0x1BF5;
	p2 =	por !p2, p0  }
0x20: {  	[sflag:s8] =	ssyncset.s32 @!p0 $0xFFFFF086;
	s6 =	sadd.s32 @!p0 s3, s7;
	s7 =	simm.s32 @!p0 $0x108  }
0x21: {  	s3 =	sadd.s32 s3, s9;
	s6 =	sadd.s32 @!p0 $0x88, s6;
	s7 =	simm.s32 @p2 $0x1082  }
0x22: {  	[simem:s7], [sflag:s8] =	dma.local @!p0 [hbm:s6], $0xF7A  }
0x23: {  	s9 =	sor.u32 $0xD0000000, s2;
	s6 =	simm.s32 $0x108;
	_ =	swait.ge @!p0 [sflag:s8], $0x0  }
0x24: {  	s3 =	sadd.s32 $0x88, s3;
	s6 =	simm.s32 @!p1 $0x1082;
	[sflag:s4] =	ssyncset.s32 $0xFFFFF086  }
0x25: {  	[simem:s6], [sflag:s4] =	dma.local [hbm:s3], $0xF7A  }
0x26: {  	[smem:$0x3F9F] =	sst s1;
	(tag) =	ssettag s2;
	_ =	strace s9  }
0x27: {  	s1 =	sld [smem:$0x3FAF]  }
0x28: {  	s2 =	sld [smem:$0x3FB0]  }
0x29: {  	s4 =	sld [smem:$0x3FB2]  }
0x2a: {  	p0 =	seq.s32 s5, $0x0;
	s5 =	sld [smem:$0x3FB3]  }
0x2b: {  	s6 =	sld [smem:$0x3FB4]  }
0x2c: {  	s7 =	sld [smem:$0x3FB5]  }
0x2d: {  	s3 =	simm.s32 $0x108;
	s8 =	sld [smem:$0x3FB6]  }
0x2e: {  	s3 =	simm.s32 @!p0 $0x1082;
	s9 =	sld [smem:$0x3FB7]  }
0x2f: {  	lr =	sadd.s32 s0, s3;
	s0 =	sld [smem:$0x3FAE]  }
0x30: {  	s3 =	sld [smem:$0x3FB1]  }
0x31: {  	[smem:$0x3FBA] =	sst s10  }
0x32: {  	s10 =	sld [smem:$0x3FB8];
	_ =	sdelay $0x3  }
0x33: {  	p0 =	seq.s32 s10, $0x1;
	s10 =	sld [smem:$0x3FBA];
	_ =	sdelay $0x3  }
0x34: {  	[smem:$0x3FBA] =	sst s10  }
0x35: {  	s10 =	sld [smem:$0x3FB9];
	_ =	sdelay $0x3  }
0x36: {  	p1 =	seq.s32 s10, $0x1;
	s10 =	sld [smem:$0x3FBA];
	_ =	sdelay $0x3  }
0x37: {  	[smem:$0x3FBA] =	sst s10  }
0x38: {  	s10 =	sld [smem:$0x3FBB]  }
0x39: {  	_ = 	snop;
	(pc) =	sbr.ind lr, $3  }
0x3a: {  	_ = 	snop  }
0x3b: {  	_ = 	snop  }
0x3c: {  	p2 =	seq.s32 s10, $0x1;
	s10 =	sld [smem:$0x3FBA]  }
0x3d: {  	_ =	shalt  }
0x3e: {  	_ =	shalt  }
0x3f: {  	_ =	shalt  }
0x40: {  	_ =	shalt  }
0x41: {  	_ =	shalt  }
0x42: {  	_ =	shalt  }
0x43: {  	_ =	shalt  }
0x44: {  	_ =	shalt  }
0x45: {  	_ =	shalt  }
0x46: {  	_ =	shalt  }
0x47: {  	_ =	shalt  }
0x48: {  	_ =	shalt  }
0x49: {  	_ =	shalt  }
0x4a: {  	_ =	shalt  }
0x4b: {  	_ =	shalt  }
0x4c: {  	_ =	shalt  }
0x4d: {  	_ =	shalt  }
0x4e: {  	_ =	shalt  }
0x4f: {  	_ =	shalt  }
0x50: {  	_ =	shalt  }
0x51: {  	_ =	shalt  }
0x52: {  	_ =	shalt  }
0x53: {  	_ =	shalt  }
0x54: {  	_ =	shalt  }
0x55: {  	_ =	shalt  }
0x56: {  	_ =	shalt  }
0x57: {  	_ =	shalt  }
0x58: {  	_ =	shalt  }
0x59: {  	_ =	shalt  }
0x5a: {  	_ =	shalt  }
0x5b: {  	_ =	shalt  }
0x5c: {  	_ =	shalt  }
0x5d: {  	_ =	shalt  }
0x5e: {  	_ =	shalt  }
0x5f: {  	_ =	shalt  }
0x60: {  	_ =	shalt  }
0x61: {  	_ =	shalt  }
0x62: {  	_ =	shalt  }
0x63: {  	_ =	shalt  }
0x64: {  	_ =	shalt  }
0x65: {  	_ =	shalt  }
0x66: {  	_ =	shalt  }
0x67: {  	_ =	shalt  }
0x68: {  	_ =	shalt  }
0x69: {  	_ =	shalt  }
0x6a: {  	_ =	shalt  }
0x6b: {  	_ =	shalt  }
0x6c: {  	_ =	shalt  }
0x6d: {  	_ =	shalt  }
0x6e: {  	_ =	shalt  }
0x6f: {  	_ =	shalt  }
0x70: {  	_ =	shalt  }
0x71: {  	_ =	shalt  }
0x72: {  	_ =	shalt  }
0x73: {  	_ =	shalt  }
0x74: {  	_ =	shalt  }
0x75: {  	_ =	shalt  }
0x76: {  	_ =	shalt  }
0x77: {  	_ =	shalt  }
0x78: {  	_ =	shalt  }
0x79: {  	_ =	shalt  }
0x7a: {  	_ =	shalt  }
0x7b: {  	_ =	shalt  }
0x7c: {  	_ =	shalt  }
0x7d: {  	_ =	shalt  }
0x7e: {  	_ =	shalt  }
0x7f: {  	_ =	shalt  }
0x80: {  	_ =	shalt  }
0x81: {  	_ =	shalt  }
0x82: {  	_ =	shalt  }
0x83: {  	_ =	shalt  }
0x84: {  	_ =	shalt  }
0x85: {  	_ =	shalt  }
0x86: {  	_ =	shalt  }
0x87: {  	_ =	shalt  }
.Lfunc_end0:
.L_simem_size_0:
called_computation_lowered:
.L_overlay_start_0:
0x88: {  	s2 =	sld [smem:$0x3FD9]  }
0x89: {  	s3 =	sld [smem:$0x3FFE];
	_ =	sdelay $0x1  }
0x8a: {  	s1 =	srdreg.scid  }
0x8b: {  	s0 =	sand.u32 $0x1, s1  }
0x8c: {  	s17 =	sshll.u32 s0, $0xA;
	s2 =	sadd.s32 s3, s2  }
0x8d: {  	s2 =	sadd.s32 s2, s17  }
0x8e: {  	[smem:$0x3FC6] =	sst s2  }
0x8f: {  	_ = 	snop  }
0x90: {  	s2 =	sld [smem:$0x3FD0];
	(tm) =	ssettm $0x1  }
0x91: {  	s18 =	sld [smem:$0x3FFB];
	_ =	sdelay $0x3  }
0x92: {  	_ =	strace s18  }
0x93: {  	s3 =	sld [smem:$0x3FFC];
	_ =	sdelay $0x3  }
0x94: {  	_ =	strace s3  }
0x95: {  	s3 =	sld [smem:$0x3FFD];
	_ =	sdelay $0x3  }
0x96: {  	_ =	strace s3  }
0x97: {  	_ =	strace $0x8FFFFFFF  }
0x98: {  	s19 =	sld [smem:$0x3FDB];
	_ =	sdelay $0x1  }
0x99: {  	s4 =	simm.s32 $_scs_section_size  }
0x9a: {  	s5 =	simm.s32 $_size__tile_overlayer_lowered;
	s6 =	simm.s32 $_tile_overlayer_lowered  }
0x9b: {  	s22 =	simm.s32 $0x1BFF;
	s21 =	sshll.u32 s6, $0x1;
	s3 =	sadd.s32 s4, s19  }
0x9c: {  	s7 =	simm.s32 $0x0;
	s20 =	sshll.u32 s5, $0x1;
	s5 =	sadd.s32 s21, s3  }
0x9d: {  	[timem:s7], [sflag:s22] =	dma.local [hbm:s5], s20  }
0x9e: {  	_ =	swait.ge [sflag:s22], s20  }
0x9f: {  	s4 =	ssub.s32 $0x0, s20;
	[sflag:s22] =	ssyncset.done $0x0  }
0xa0: {  	[sflag:s22] =	ssyncadd.s32 s4;
	_ =	sdelay $0x1  }
0xa1: {  	s23 =	simm.s32 $0x1B8B  }
0xa2: {  	_ =	swait.ge [sflag:s23], $0x1  }
0xa3: {  	[sflag:s23] =	ssyncset.done $0x0  }
0xa4: {  	s25 =	simm.s32 $0x1B8E;
	s24 =	sld [smem:$0x3FFE];
	[sflag:s23] =	ssyncadd.s32 $0xFFFFFFFF  }
0xa5: {  	s26 =	simm.s32 $execute0_lowered;
	[smem:$0x3FD2] =	sst s25  }
0xa6: {  	s5 =	sshll.u32 s26, $0x1;
	_ =	strace $0x80000046;
	[dreg:$0x1] =	wrdreg $0xFFFFFFFF  }
0xa7: {  	s28 =	simm.s32 $_size_execute0_lowered;
	s3 =	sadd.s32 s3, s5;
	[dreg:$0x0] =	wrdreg $0x0  }
0xa8: {  	s5 =	sshll.u32 s28, $0x1;
	[dreg:$0x2] =	wrdreg s3  }
0xa9: {  	[dreg:$0x3] =	wrdreg s5  }
0xaa: {  	[dreg:$0x4] =	wrdreg $0xC0  }
0xab: {  	_ =	task [dreg:s7], $0x5FFFF  }
0xac: {  	[dreg:$0x1] =	wrdreg $0xFFFFFFFF  }
0xad: {  	[dreg:$0x0] =	wrdreg $0x60  }
0xae: {  	[dreg:$0x2] =	wrdreg s24  }
0xaf: {  	[dreg:$0x3] =	wrdreg s2  }
0xb0: {  	[dreg:$0x4] =	wrdreg $0x9  }
0xb1: {  	_ =	task.clear_ibuf [dreg:s7], $0x5FFFF;
	_ =	strace $0x90000046  }
0xb2: {  	s29 =	simm.s32 $0x9;
	_ =	strace $0x80000048  }
0xb3: {  	_ =	swait.ge [sflag:s29], $0x1  }
0xb4: {  	[sflag:s29] =	ssyncadd.s32 $0xFFFFFFFF  }
0xb5: {  	_ =	strace $0x90000048  }
0xb6: {  	_ =	sfence  }
0xb7: {  	s30 =	sld [smem:$0x0];
	_ =	sdelay $0x2  }
0xb8: {  	s31 =	sshll.u32 s1, $0xD;
	s1 =	sshrl.u32 s1, $0x2  }
0xb9: {  	s3 =	sand.u32 $0x4000, s31;
	s1 =	sadd.s32 s1, s30  }
0xba: {  	s0 =	sor.u32 s3, s0;
	s1 =	sshll.u32 s1, $0x11  }
0xbb: {  	s0 =	sor.u32 s1, s0  }
0xbc: {  	s0 =	sadd.s32 $0x8F2B, s0  }
0xbd: {  	[sflag:s0] =	ssyncadd.remote.s32 $0x1  }
0xbe: {  	_ =	sfence.sel $0xFFFF  }
0xbf: {  	[dreg:$0x0] =	wrdreg $0xFFFFFFFF;
	(pc) =	sbr.abs _section_cstart, $3  }
0xc0: {  	[dreg:$0x1] =	wrdreg $0xFFFFFFFF  }
0xc1: {  	_ =	task.clear_ibuf [dreg:s7], $0x2FFFF;
	_ =	strace $0x9FFFFFFF  }
0xc2: {  	(tm) =	ssettm $0x7FFFFFFF  }
0xc3: {  	_ =	shalt  }
tec
execute0_lowered:
.L_overlay_start_1:
0x0: {  	(tag) =	ssettag $0x1  }
0x1: {  	s0 =	rddreg [dreg:$0x0]  }
0x2: {  	s1 =	rddreg [dreg:$0x1];
	s2 =	simm.s32 $0x0;
	s16 =	srdreg.scid  }
0x3: {  	s3 =	stileid.u32;
	s29 =	simm.s32 $0x3;
	s30 =	simm.s32 $0x2  }
0x4: {  	s31 =	simm.s32 $0x4200;
	s10 =	simm.s32 $0x20000;
	s13 =	simm.s32 $0x8200  }
0x5: {  	s14 =	simm.s32 $0x4;
	s15 =	simm.s32 $0xC200;
	[smem:$0x7FF] =	sst s2  }
0x6: {  	s2 =	sand.u32 $0x1, s16;
	s3 =	sshll.u32 s3, $0x1;
	s4 =	sadd.s32 $0x400, s0  }
0x7: {  	s5 =	sadd.s32 $0x64400, s0;
	s7 =	ssub.s32 $0x2, s2;
	s2 =	sor.u32 s2, s3  }
0x8: {  	s16 =	simm.s32 $0x5;
	_ =	strace $0x80000047;
	s3 =	sshll.u32 s2, $0x6  }
0x9: {  	s17 =	sshrl.u32 s7, $0x1;
	s6 =	sshll.u32 s2, $0x9;
	s8 =	sadd.s32 s4, s3  }
0xa: {  	s2 =	sshll.u32 s2, $0xC;
	s9 =	sadd.s32 s1, s6;
	[dreg:$0x3] =	wrdreg s8  }
0xb: {  	s0 =	ssub.s32 s7, s17;
	s19 =	sadd.s32 $0x800, s8;
	[dreg:$0x6] =	wrdreg s9  }
0xc: {  	s7 =	sor.u32 $0x100, s6;
	s20 =	sadd.s32 $0x820, s8;
	[dreg:$0x5] =	wrdreg s19  }
0xd: {  	s11 =	sor.u32 $0x800, s2;
	s22 =	sadd.s32 $0x1000, s8;
	[dreg:$0x7] =	wrdreg s20  }
0xe: {  	s17 =	simm.s32 $0x6;
	s23 =	sadd.s32 $0x20000, s9;
	[dreg:$0x9] =	wrdreg s22  }
0xf: {  	s18 =	sshrl.u32 s7, $0x3;
	s24 =	sadd.s32 $0x1020, s8;
	[dreg:$0xa] =	wrdreg s23  }
0x10: {  	s21 =	sshrl.u32 s11, $0x3;
	s25 =	sadd.s32 $0x18C0100, s9;
	[dreg:$0xb] =	wrdreg s24  }
0x11: {  	s26 =	sadd.s32 $0x18E0000, s9;
	s28 =	sadd.s32 $0x18E0100, s9;
	[dreg:$0xc] =	wrdreg s25  }
0x12: {  	s0 =	smax.u32 s0, $0x1;
	s9 =	simm.s32 $0x800;
	[dreg:$0xd] =	wrdreg s26  }
0x13: {  	s3 =	sadd.s32 s4, s18;
	s18 =	sor.u32 $0x200000, s2;
	[dreg:$0xe] =	wrdreg s28  }
0x14: {  	[dreg:$0xf] =	wrdreg s0;
	s23 =	simm.s32 $0x100;
	s24 =	simm.s32 $0x1  }
0x15: {  	v0 =	vlaneseq.u32;
	s25 =	simm.s32 $0x80;
	[dreg:$0x4] =	wrdreg s3;
	s3 =	sadd.s32 s1, s21  }
0x16: {  	v0 =	vmul.u32 $0x40, v0;
	s26 =	simm.s32 $0x200;
	s2 =	simm.s32 $0x0;
	[dreg:$0x8] =	wrdreg s3  }
.LBB2_1:
0x17: {  	[dreg:$0x10] =	wrdreg s2  }
0x18: {  	s0 =	simm.s32 $0x0;
	s19 =	rddreg [dreg:$0x3]  }
0x19: {  	[tilespmem:s0], [sflag:$0x1] =	stream.linear.gather [hbm4b:s19+s0], $0x100, $0x38;
	[tilespmem:$0x10200] =	vst v63  }
0x1a: {  	s20 =	rddreg [dreg:$0x4]  }
0x1b: {  	[tilespmem:s23], [sflag:$0x2] =	stream.linear.gather [hbm4b:s20+s0], $0x100, $0x38;
	[tilespmem:$0x10200] =	vst v63  }
0x1c: {  	_ =	swait.ge [sflag:s24], $0x100  }
0x1d: {  	[sflag:s24] =	ssyncset.done $0x0  }
0x1e: {  	[sflag:s24] =	ssyncadd.s32 $0xFFFFFF00  }
0x1f: {  	[tilespmem:s26], [sflag:$0x3] =	stream.indirect.gather [hbm4b:s5+s25], $0x40, s0, s25, $0xb8;
	[tilespmem:$0x10200] =	vst v63  }
0x20: {  	s21 =	simm.s32 $0x2200  }
0x21: {  	[tilespmem:s21], [sflag:$0x3] =	stream.indirect.gather [hbm4b:s5+s25], $0x40, s25, s25, $0xb8;
	[tilespmem:$0x10200] =	vst v63  }
0x22: {  	_ =	swait.ge [sflag:s29], $0x2000  }
0x23: {  	[sflag:s29] =	ssyncset.done $0x0  }
0x24: {  	[sflag:s29] =	ssyncadd.s32 $0xFFFFE000  }
0x25: {  	_ =	swait.ge [sflag:s29], $0x2000  }
0x26: {  	[sflag:s29] =	ssyncset.done $0x0  }
0x27: {  	s3 =	rddreg [dreg:$0x5];
	[sflag:s29] =	ssyncadd.s32 $0xFFFFE000  }
0x28: {  	[tilespmem:s0], [sflag:$0x1] =	stream.linear.gather [hbm4b:s3+s0], $0x100, $0x38;
	[tilespmem:$0x10200] =	vst v63  }
0x29: {  	_ =	swait.ge [sflag:s30], $0x100  }
0x2a: {  	s2 =	simm.s32 $0x0;
	[sflag:s30] =	ssyncset.done $0x0  }
0x2b: {  	s22 =	simm.s32 $0x180;
	s28 =	simm.s32 $0x6200;
	[sflag:s30] =	ssyncadd.s32 $0xFFFFFF00  }
0x2c: {  	[tilespmem:s31], [sflag:$0x4] =	stream.indirect.gather [hbm4b:s5+s25], $0x40, s23, s25, $0xb8;
	[tilespmem:$0x10200] =	vst v63  }
0x2d: {  	s8 =	simm.s32 $0x0;
	s12 =	simm.s32 $0x0;
	s19 =	simm.s32 $0x0  }
0x2e: {  	[tilespmem:s28], [sflag:$0x4] =	stream.indirect.gather [hbm4b:s5+s25], $0x40, s22, s25, $0xb8;
	[tilespmem:$0x10200] =	vst v63  }
.LBB2_2:
0x2f: {  	s0 =	sshll.u32 s19, $0x4  }
0x30: {  	v1 =	vmov s0  }
0x31: {  	v1 =	vshll.u32 v1, $0x6  }
0x32: {  	v3 =	vimm.s32 $0x0;
	v1 =	vor.u32 v0, v1  }
0x33: {  	v14 =	vadd.s32 $0x8, v3;
	v4 =	vadd.s32 v1, v3  }
0x34: {  	v11 =	vadd.s32 v1, v14  }
0x35: {  	v5 =	vor.u32 $0x7, v4  }
0x36: {  	v6 =	vor.u32 $0x1, v4  }
0x37: {  	v7 =	vor.u32 $0x2, v4  }
0x38: {  	v8 =	vor.u32 $0x3, v4;
	v2 =	vld.idx.msk [tilespmem:v4+s26+$0x0], $0xffff  }
0x39: {  	v9 =	vor.u32 $0x4, v4;
	v3 =	vld.idx.msk [tilespmem:v11+s26+$0x0], $0xffff  }
0x3a: {  	s28 =	sshll.u32 s12, $0x2;
	s3 =	sand.u32 $0x7, s8;
	v10 =	vor.u32 $0x5, v4;
	v5 =	vld.idx.msk [tilespmem:v5+s26+$0x0], $0xffff  }
0x3b: {  	s0 =	sand.u32 $0xFFFFF000, s28;
	s3 =	sshll.u32 s3, $0x6;
	v4 =	vor.u32 $0x6, v4;
	v6 =	vld.idx.msk [tilespmem:v6+s26+$0x0], $0xffff  }
0x3c: {  	s0 =	sor.u32 s3, s0;
	v15 =	vor.u32 $0x7, v11;
	v7 =	vld.idx.msk [tilespmem:v7+s26+$0x0], $0xffff  }
0x3d: {  	s0 =	sshrl.u32 s0, $0x2;
	v17 =	vor.u32 $0x1, v11;
	v16 =	vld.idx.msk [tilespmem:v8+s26+$0x0], $0xffff  }
0x3e: {  	s3 =	sadd.s32 $0x8400, s0;
	v12 =	vor.u32 $0x2, v11;
	v13 =	vld.idx.msk [tilespmem:v9+s26+$0x0], $0xffff  }
0x3f: {  	v10 =	vld.idx.msk [tilespmem:v10+s26+$0x0], $0xffff;
	v8 =	vor.u32 $0x3, v11;
	[tilespmem:s3+$0x180] =	vst v5  }
0x40: {  	v9 =	vld.idx.msk [tilespmem:v4+s26+$0x0], $0xffff;
	v4 =	vor.u32 $0x4, v11;
	[tilespmem:s3+$0xFFFFFE80] =	vst v6  }
0x41: {  	v6 =	vld.idx.msk [tilespmem:v15+s26+$0x0], $0xffff;
	[tilespmem:s3+$0xFFFFFF00] =	vst v7;
	v7 =	vor.u32 $0x5, v11  }
0x42: {  	s20 =	simm.s32 $0x8;
	v14 =	vadd.s32 $0x8, v14;
	v5 =	vor.u32 $0x6, v11;
	v11 =	vld.idx.msk [tilespmem:v17+s26+$0x0], $0xffff;
	[tilespmem:s3+$0xFFFFFF80] =	vst v16  }
.LBB2_3:
0x43: {  	v15 =	vadd.s32 v1, v14;
	s20 =	sadd.s32 $0x8, s20;
	v16 =	vld.idx.msk [tilespmem:v12+s26+$0x0], $0xffff;
	[tilespmem:s3+$0x0] =	vst v13  }
0x44: {  	v17 =	vor.u32 $0x1, v15;
	v12 =	vor.u32 $0x2, v15;
	v18 =	vor.u32 $0x7, v15;
	p0 =	slt.u32 s20, $0x38;
	v19 =	vld.idx.msk [tilespmem:v8+s26+$0x0], $0xffff;
	[tilespmem:s3+$0x80] =	vst v10  }
0x45: {  	v8 =	vor.u32 $0x3, v15;
	v20 =	vor.u32 $0x5, v15;
	v13 =	vld.idx.msk [tilespmem:v4+s26+$0x0], $0xffff;
	v4 =	vor.u32 $0x4, v15;
	[tilespmem:s3+$0x100] =	vst v9  }
.Ltmp0:
0x46: {  	v21 =	vor.u32 $0x6, v15;
	v10 =	vld.idx.msk [tilespmem:v7+s26+$0x0], $0xffff;
	[tilespmem:s3+$0xFFFFFE00] =	vst v2;
	s3 =	sadd.s32 $0x800, s3;
	v7 =	vmov v20;
	v2 =	vmov v3;
	(pc) =	sbr.rel @p0 .LBB2_3-.Ltmp0, $4  }
0x47: {  	v9 =	vld.idx.msk [tilespmem:v5+s26+$0x0], $0xffff;
	[tilespmem:s3+$0x180] =	vst v6;
	v5 =	vmov v21  }
0x48: {  	v3 =	vld.idx.msk [tilespmem:v15+s26+$0x0], $0xffff;
	[tilespmem:s3+$0xFFFFFE80] =	vst v11  }
0x49: {  	v6 =	vld.idx.msk [tilespmem:v18+s26+$0x0], $0xffff;
	[tilespmem:s3+$0xFFFFFF00] =	vst v16  }
0x4a: {  	v14 =	vadd.s32 $0x8, v14;
	v11 =	vld.idx.msk [tilespmem:v17+s26+$0x0], $0xffff;
	[tilespmem:s3+$0xFFFFFF80] =	vst v19  }
0x4b: {  	_ =	sdelay $0x1  }
0x4c: {  	[tilespmem:s3+$0x0] =	vst v13  }
0x4d: {  	[tilespmem:s3+$0x80] =	vst v10  }
0x4e: {  	v1 =	vld.idx.msk [tilespmem:v12+s26+$0x0], $0xffff;
	[tilespmem:s3+$0xFFFFFE00] =	vst v2  }
0x4f: {  	v8 =	vld.idx.msk [tilespmem:v8+s26+$0x0], $0xffff;
	s0 =	sadd.s32 $0x800, s3;
	[tilespmem:s3+$0x100] =	vst v9  }
0x50: {  	v4 =	vld.idx.msk [tilespmem:v4+s26+$0x0], $0xffff;
	[tilespmem:s0+$0xFFFFFE00] =	vst v3  }
0x51: {  	v2 =	vld.idx.msk [tilespmem:v7+s26+$0x0], $0xffff;
	s19 =	sadd.s32 $0x1, s19;
	[tilespmem:s0+$0x180] =	vst v6  }
0x52: {  	v5 =	vld.idx.msk [tilespmem:v5+s26+$0x0], $0xffff;
	p0 =	sne.s32 s19, $0x10;
	[tilespmem:s0+$0xFFFFFE80] =	vst v11  }
.Ltmp1:
0x53: {  	[tilespmem:s0+$0xFFFFFF00] =	vst v1;
	(pc) =	sbr.rel @p0 .LBB2_2-.Ltmp1, $4  }
0x54: {  	[tilespmem:s0+$0xFFFFFF80] =	vst v8  }
0x55: {  	[tilespmem:s0+$0x0] =	vst v4  }
0x56: {  	[tilespmem:s0+$0x80] =	vst v2  }
0x57: {  	s12 =	sadd.s32 $0x80, s12;
	s8 =	sadd.s32 $0x1, s8;
	[tilespmem:s0+$0x100] =	vst v5  }
0x58: {  	s0 =	rddreg [dreg:$0x6]  }
0x59: {  	[hbm4b:s0+s9] =	stream.strided.scatter [tilespmem:s13], [sflag:$0x5], $0x4000, s10, s9, $0x38;
	[tilespmem:$0x10200] =	vst v63  }
0x5a: {  	_ =	swait.ge [sflag:s14], $0x2000  }
0x5b: {  	[sflag:s14] =	ssyncset.done $0x0  }
0x5c: {  	[sflag:s14] =	ssyncadd.s32 $0xFFFFE000  }
0x5d: {  	_ =	swait.ge [sflag:s14], $0x2000  }
0x5e: {  	[sflag:s14] =	ssyncset.done $0x0  }
0x5f: {  	s8 =	simm.s32 $0x0;
	s22 =	rddreg [dreg:$0x7];
	[sflag:s14] =	ssyncadd.s32 $0xFFFFE000  }
0x60: {  	[tilespmem:s23], [sflag:$0x2] =	stream.linear.gather [hbm4b:s22+s8], $0x100, $0x38;
	[tilespmem:$0x10200] =	vst v63  }
0x61: {  	_ =	swait.ge [sflag:s24], $0x100  }
0x62: {  	[sflag:s24] =	ssyncset.done $0x0  }
0x63: {  	[sflag:s24] =	ssyncadd.s32 $0xFFFFFF00  }
0x64: {  	[tilespmem:s26], [sflag:$0x3] =	stream.indirect.gather [hbm4b:s5+s25], $0x40, s8, s25, $0xb8;
	[tilespmem:$0x10200] =	vst v63  }
0x65: {  	s28 =	simm.s32 $0x2200;
	s12 =	simm.s32 $0x0;
	s19 =	simm.s32 $0x0  }
0x66: {  	[tilespmem:s28], [sflag:$0x3] =	stream.indirect.gather [hbm4b:s5+s25], $0x40, s25, s25, $0xb8;
	[tilespmem:$0x10200] =	vst v63  }
.LBB2_6:
0x67: {  	s0 =	sshll.u32 s19, $0x4  }
0x68: {  	v1 =	vmov s0  }
0x69: {  	v1 =	vshll.u32 v1, $0x6  }
0x6a: {  	v3 =	vimm.s32 $0x0;
	v1 =	vor.u32 v0, v1  }
0x6b: {  	v14 =	vadd.s32 $0x8, v3;
	v4 =	vadd.s32 v1, v3  }
0x6c: {  	v11 =	vadd.s32 v1, v14  }
0x6d: {  	v5 =	vor.u32 $0x7, v4  }
0x6e: {  	v6 =	vor.u32 $0x1, v4  }
0x6f: {  	v7 =	vor.u32 $0x2, v4  }
0x70: {  	v8 =	vor.u32 $0x3, v4;
	v2 =	vld.idx.msk [tilespmem:v4+s31+$0x0], $0xffff  }
0x71: {  	v9 =	vor.u32 $0x4, v4;
	v3 =	vld.idx.msk [tilespmem:v11+s31+$0x0], $0xffff  }
0x72: {  	s28 =	sshll.u32 s12, $0x2;
	s3 =	sand.u32 $0x7, s8;
	v10 =	vor.u32 $0x5, v4;
	v5 =	vld.idx.msk [tilespmem:v5+s31+$0x0], $0xffff  }
0x73: {  	s0 =	sand.u32 $0xFFFFF000, s28;
	s3 =	sshll.u32 s3, $0x6;
	v4 =	vor.u32 $0x6, v4;
	v6 =	vld.idx.msk [tilespmem:v6+s31+$0x0], $0xffff  }
0x74: {  	s0 =	sor.u32 s3, s0;
	v15 =	vor.u32 $0x7, v11;
	v7 =	vld.idx.msk [tilespmem:v7+s31+$0x0], $0xffff  }
0x75: {  	s0 =	sshrl.u32 s0, $0x2;
	v17 =	vor.u32 $0x1, v11;
	v16 =	vld.idx.msk [tilespmem:v8+s31+$0x0], $0xffff  }
0x76: {  	s3 =	sadd.s32 $0xC400, s0;
	v12 =	vor.u32 $0x2, v11;
	v13 =	vld.idx.msk [tilespmem:v9+s31+$0x0], $0xffff  }
0x77: {  	v10 =	vld.idx.msk [tilespmem:v10+s31+$0x0], $0xffff;
	v8 =	vor.u32 $0x3, v11;
	[tilespmem:s3+$0x180] =	vst v5  }
0x78: {  	v9 =	vld.idx.msk [tilespmem:v4+s31+$0x0], $0xffff;
	v4 =	vor.u32 $0x4, v11;
	[tilespmem:s3+$0xFFFFFE80] =	vst v6  }
0x79: {  	v6 =	vld.idx.msk [tilespmem:v15+s31+$0x0], $0xffff;
	[tilespmem:s3+$0xFFFFFF00] =	vst v7;
	v7 =	vor.u32 $0x5, v11  }
0x7a: {  	s20 =	simm.s32 $0x8;
	v14 =	vadd.s32 $0x8, v14;
	v5 =	vor.u32 $0x6, v11;
	v11 =	vld.idx.msk [tilespmem:v17+s31+$0x0], $0xffff;
	[tilespmem:s3+$0xFFFFFF80] =	vst v16  }
.LBB2_7:
0x7b: {  	v15 =	vadd.s32 v1, v14;
	s20 =	sadd.s32 $0x8, s20;
	v16 =	vld.idx.msk [tilespmem:v12+s31+$0x0], $0xffff;
	[tilespmem:s3+$0x0] =	vst v13  }
0x7c: {  	v17 =	vor.u32 $0x1, v15;
	v12 =	vor.u32 $0x2, v15;
	v18 =	vor.u32 $0x7, v15;
	p0 =	slt.u32 s20, $0x38;
	v19 =	vld.idx.msk [tilespmem:v8+s31+$0x0], $0xffff;
	[tilespmem:s3+$0x80] =	vst v10  }
0x7d: {  	v8 =	vor.u32 $0x3, v15;
	v20 =	vor.u32 $0x5, v15;
	v13 =	vld.idx.msk [tilespmem:v4+s31+$0x0], $0xffff;
	v4 =	vor.u32 $0x4, v15;
	[tilespmem:s3+$0x100] =	vst v9  }
.Ltmp2:
0x7e: {  	v21 =	vor.u32 $0x6, v15;
	v10 =	vld.idx.msk [tilespmem:v7+s31+$0x0], $0xffff;
	[tilespmem:s3+$0xFFFFFE00] =	vst v2;
	s3 =	sadd.s32 $0x800, s3;
	v7 =	vmov v20;
	v2 =	vmov v3;
	(pc) =	sbr.rel @p0 .LBB2_7-.Ltmp2, $4  }
0x7f: {  	v9 =	vld.idx.msk [tilespmem:v5+s31+$0x0], $0xffff;
	[tilespmem:s3+$0x180] =	vst v6;
	v5 =	vmov v21  }
0x80: {  	v3 =	vld.idx.msk [tilespmem:v15+s31+$0x0], $0xffff;
	[tilespmem:s3+$0xFFFFFE80] =	vst v11  }
0x81: {  	v6 =	vld.idx.msk [tilespmem:v18+s31+$0x0], $0xffff;
	[tilespmem:s3+$0xFFFFFF00] =	vst v16  }
0x82: {  	v14 =	vadd.s32 $0x8, v14;
	v11 =	vld.idx.msk [tilespmem:v17+s31+$0x0], $0xffff;
	[tilespmem:s3+$0xFFFFFF80] =	vst v19  }
0x83: {  	_ =	sdelay $0x1  }
0x84: {  	[tilespmem:s3+$0x0] =	vst v13  }
0x85: {  	[tilespmem:s3+$0x80] =	vst v10  }
0x86: {  	v1 =	vld.idx.msk [tilespmem:v12+s31+$0x0], $0xffff;
	[tilespmem:s3+$0xFFFFFE00] =	vst v2  }
0x87: {  	v8 =	vld.idx.msk [tilespmem:v8+s31+$0x0], $0xffff;
	s0 =	sadd.s32 $0x800, s3;
	[tilespmem:s3+$0x100] =	vst v9  }
0x88: {  	v4 =	vld.idx.msk [tilespmem:v4+s31+$0x0], $0xffff;
	[tilespmem:s0+$0xFFFFFE00] =	vst v3  }
0x89: {  	v2 =	vld.idx.msk [tilespmem:v7+s31+$0x0], $0xffff;
	s19 =	sadd.s32 $0x1, s19;
	[tilespmem:s0+$0x180] =	vst v6  }
0x8a: {  	v5 =	vld.idx.msk [tilespmem:v5+s31+$0x0], $0xffff;
	p0 =	sne.s32 s19, $0x10;
	[tilespmem:s0+$0xFFFFFE80] =	vst v11  }
.Ltmp3:
0x8b: {  	[tilespmem:s0+$0xFFFFFF00] =	vst v1;
	(pc) =	sbr.rel @p0 .LBB2_6-.Ltmp3, $4  }
0x8c: {  	[tilespmem:s0+$0xFFFFFF80] =	vst v8  }
0x8d: {  	[tilespmem:s0+$0x0] =	vst v4  }
0x8e: {  	[tilespmem:s0+$0x80] =	vst v2  }
0x8f: {  	s12 =	sadd.s32 $0x80, s12;
	s8 =	sadd.s32 $0x1, s8;
	[tilespmem:s0+$0x100] =	vst v5  }
0x90: {  	s0 =	rddreg [dreg:$0x8]  }
0x91: {  	[hbm4b:s0+s9] =	stream.strided.scatter [tilespmem:s15], [sflag:$0x6], $0x4000, s10, s9, $0x38;
	[tilespmem:$0x10200] =	vst v63  }
0x92: {  	_ =	swait.ge [sflag:s29], $0x2000  }
0x93: {  	[sflag:s29] =	ssyncset.done $0x0  }
0x94: {  	[sflag:s29] =	ssyncadd.s32 $0xFFFFE000  }
0x95: {  	_ =	swait.ge [sflag:s29], $0x2000  }
0x96: {  	[sflag:s29] =	ssyncset.done $0x0  }
0x97: {  	s8 =	simm.s32 $0x0;
	s22 =	rddreg [dreg:$0x9];
	[sflag:s29] =	ssyncadd.s32 $0xFFFFE000  }
0x98: {  	[tilespmem:s8], [sflag:$0x1] =	stream.linear.gather [hbm4b:s22+s8], $0x100, $0x38;
	[tilespmem:$0x10200] =	vst v63  }
0x99: {  	_ =	swait.ge [sflag:s30], $0x100  }
0x9a: {  	[sflag:s30] =	ssyncset.done $0x0  }
0x9b: {  	[sflag:s30] =	ssyncadd.s32 $0xFFFFFF00  }
0x9c: {  	[tilespmem:s31], [sflag:$0x4] =	stream.indirect.gather [hbm4b:s5+s25], $0x40, s23, s25, $0xb8;
	[tilespmem:$0x10200] =	vst v63  }
0x9d: {  	s28 =	simm.s32 $0x180;
	s3 =	simm.s32 $0x6200  }
0x9e: {  	[tilespmem:s3], [sflag:$0x4] =	stream.indirect.gather [hbm4b:s5+s25], $0x40, s28, s25, $0xb8;
	[tilespmem:$0x10200] =	vst v63  }
0x9f: {  	_ =	swait.ge [sflag:s16], $0x4000  }
0xa0: {  	[sflag:s16] =	ssyncset.done $0x0  }
0xa1: {  	s12 =	simm.s32 $0x0;
	s19 =	simm.s32 $0x0;
	[sflag:s16] =	ssyncadd.s32 $0xFFFFC000  }
.LBB2_10:
0xa2: {  	s0 =	sshll.u32 s19, $0x4  }
0xa3: {  	v1 =	vmov s0  }
0xa4: {  	v1 =	vshll.u32 v1, $0x6  }
0xa5: {  	v3 =	vimm.s32 $0x0;
	v1 =	vor.u32 v0, v1  }
0xa6: {  	v14 =	vadd.s32 $0x8, v3;
	v4 =	vadd.s32 v1, v3  }
0xa7: {  	v11 =	vadd.s32 v1, v14  }
0xa8: {  	v5 =	vor.u32 $0x7, v4  }
0xa9: {  	v6 =	vor.u32 $0x1, v4  }
0xaa: {  	v7 =	vor.u32 $0x2, v4  }
0xab: {  	v8 =	vor.u32 $0x3, v4;
	v2 =	vld.idx.msk [tilespmem:v4+s26+$0x0], $0xffff  }
0xac: {  	v9 =	vor.u32 $0x4, v4;
	v3 =	vld.idx.msk [tilespmem:v11+s26+$0x0], $0xffff  }
0xad: {  	s28 =	sshll.u32 s12, $0x2;
	s3 =	sand.u32 $0x7, s8;
	v10 =	vor.u32 $0x5, v4;
	v5 =	vld.idx.msk [tilespmem:v5+s26+$0x0], $0xffff  }
0xae: {  	s0 =	sand.u32 $0xFFFFF000, s28;
	s3 =	sshll.u32 s3, $0x6;
	v4 =	vor.u32 $0x6, v4;
	v6 =	vld.idx.msk [tilespmem:v6+s26+$0x0], $0xffff  }
0xaf: {  	s0 =	sor.u32 s3, s0;
	v15 =	vor.u32 $0x7, v11;
	v7 =	vld.idx.msk [tilespmem:v7+s26+$0x0], $0xffff  }
0xb0: {  	s0 =	sshrl.u32 s0, $0x2;
	v17 =	vor.u32 $0x1, v11;
	v16 =	vld.idx.msk [tilespmem:v8+s26+$0x0], $0xffff  }
0xb1: {  	s3 =	sadd.s32 $0x8400, s0;
	v12 =	vor.u32 $0x2, v11;
	v13 =	vld.idx.msk [tilespmem:v9+s26+$0x0], $0xffff  }
0xb2: {  	v10 =	vld.idx.msk [tilespmem:v10+s26+$0x0], $0xffff;
	v8 =	vor.u32 $0x3, v11;
	[tilespmem:s3+$0x180] =	vst v5  }
0xb3: {  	v9 =	vld.idx.msk [tilespmem:v4+s26+$0x0], $0xffff;
	v4 =	vor.u32 $0x4, v11;
	[tilespmem:s3+$0xFFFFFE80] =	vst v6  }
0xb4: {  	v6 =	vld.idx.msk [tilespmem:v15+s26+$0x0], $0xffff;
	[tilespmem:s3+$0xFFFFFF00] =	vst v7;
	v7 =	vor.u32 $0x5, v11  }
0xb5: {  	s20 =	simm.s32 $0x8;
	v14 =	vadd.s32 $0x8, v14;
	v5 =	vor.u32 $0x6, v11;
	v11 =	vld.idx.msk [tilespmem:v17+s26+$0x0], $0xffff;
	[tilespmem:s3+$0xFFFFFF80] =	vst v16  }
.LBB2_11:
0xb6: {  	v15 =	vadd.s32 v1, v14;
	s20 =	sadd.s32 $0x8, s20;
	v16 =	vld.idx.msk [tilespmem:v12+s26+$0x0], $0xffff;
	[tilespmem:s3+$0x0] =	vst v13  }
0xb7: {  	v17 =	vor.u32 $0x1, v15;
	v12 =	vor.u32 $0x2, v15;
	v18 =	vor.u32 $0x7, v15;
	p0 =	slt.u32 s20, $0x38;
	v19 =	vld.idx.msk [tilespmem:v8+s26+$0x0], $0xffff;
	[tilespmem:s3+$0x80] =	vst v10  }
0xb8: {  	v8 =	vor.u32 $0x3, v15;
	v20 =	vor.u32 $0x5, v15;
	v13 =	vld.idx.msk [tilespmem:v4+s26+$0x0], $0xffff;
	v4 =	vor.u32 $0x4, v15;
	[tilespmem:s3+$0x100] =	vst v9  }
.Ltmp4:
0xb9: {  	v21 =	vor.u32 $0x6, v15;
	v10 =	vld.idx.msk [tilespmem:v7+s26+$0x0], $0xffff;
	[tilespmem:s3+$0xFFFFFE00] =	vst v2;
	s3 =	sadd.s32 $0x800, s3;
	v7 =	vmov v20;
	v2 =	vmov v3;
	(pc) =	sbr.rel @p0 .LBB2_11-.Ltmp4, $4  }
0xba: {  	v9 =	vld.idx.msk [tilespmem:v5+s26+$0x0], $0xffff;
	[tilespmem:s3+$0x180] =	vst v6;
	v5 =	vmov v21  }
0xbb: {  	v3 =	vld.idx.msk [tilespmem:v15+s26+$0x0], $0xffff;
	[tilespmem:s3+$0xFFFFFE80] =	vst v11  }
0xbc: {  	v6 =	vld.idx.msk [tilespmem:v18+s26+$0x0], $0xffff;
	[tilespmem:s3+$0xFFFFFF00] =	vst v16  }
0xbd: {  	v14 =	vadd.s32 $0x8, v14;
	v11 =	vld.idx.msk [tilespmem:v17+s26+$0x0], $0xffff;
	[tilespmem:s3+$0xFFFFFF80] =	vst v19  }
0xbe: {  	_ =	sdelay $0x1  }
0xbf: {  	[tilespmem:s3+$0x0] =	vst v13  }
0xc0: {  	[tilespmem:s3+$0x80] =	vst v10  }
0xc1: {  	v1 =	vld.idx.msk [tilespmem:v12+s26+$0x0], $0xffff;
	[tilespmem:s3+$0xFFFFFE00] =	vst v2  }
0xc2: {  	v8 =	vld.idx.msk [tilespmem:v8+s26+$0x0], $0xffff;
	s0 =	sadd.s32 $0x800, s3;
	[tilespmem:s3+$0x100] =	vst v9  }
0xc3: {  	v4 =	vld.idx.msk [tilespmem:v4+s26+$0x0], $0xffff;
	[tilespmem:s0+$0xFFFFFE00] =	vst v3  }
0xc4: {  	v2 =	vld.idx.msk [tilespmem:v7+s26+$0x0], $0xffff;
	s19 =	sadd.s32 $0x1, s19;
	[tilespmem:s0+$0x180] =	vst v6  }
0xc5: {  	v5 =	vld.idx.msk [tilespmem:v5+s26+$0x0], $0xffff;
	p0 =	sne.s32 s19, $0x10;
	[tilespmem:s0+$0xFFFFFE80] =	vst v11  }
.Ltmp5:
0xc6: {  	[tilespmem:s0+$0xFFFFFF00] =	vst v1;
	(pc) =	sbr.rel @p0 .LBB2_10-.Ltmp5, $4  }
0xc7: {  	[tilespmem:s0+$0xFFFFFF80] =	vst v8  }
0xc8: {  	[tilespmem:s0+$0x0] =	vst v4  }
0xc9: {  	[tilespmem:s0+$0x80] =	vst v2  }
0xca: {  	s12 =	sadd.s32 $0x80, s12;
	s8 =	sadd.s32 $0x1, s8;
	[tilespmem:s0+$0x100] =	vst v5  }
0xcb: {  	s0 =	rddreg [dreg:$0xa]  }
0xcc: {  	[hbm4b:s0+s9] =	stream.strided.scatter [tilespmem:s13], [sflag:$0x5], $0x4000, s10, s9, $0x38;
	[tilespmem:$0x10200] =	vst v63  }
0xcd: {  	_ =	swait.ge [sflag:s14], $0x2000  }
0xce: {  	[sflag:s14] =	ssyncset.done $0x0  }
0xcf: {  	[sflag:s14] =	ssyncadd.s32 $0xFFFFE000  }
0xd0: {  	_ =	swait.ge [sflag:s14], $0x2000  }
0xd1: {  	s20 =	simm.s32 $0x0;
	[sflag:s14] =	ssyncset.done $0x0  }
0xd2: {  	s22 =	simm.s32 $0x0;
	s28 =	rddreg [dreg:$0xb];
	[sflag:s14] =	ssyncadd.s32 $0xFFFFE000  }
0xd3: {  	[tilespmem:s23], [sflag:$0x2] =	stream.linear.gather [hbm4b:s28+s20], $0x100, $0x38;
	[tilespmem:$0x10200] =	vst v63  }
.LBB2_14:
0xd4: {  	_ =	swait.ge [sflag:s24], $0x100  }
0xd5: {  	[sflag:s24] =	ssyncset.done $0x0  }
0xd6: {  	[sflag:s24] =	ssyncadd.s32 $0xFFFFFF00  }
0xd7: {  	[tilespmem:s26], [sflag:$0x3] =	stream.indirect.gather [hbm4b:s5+s25], $0x40, s20, s25, $0xb8;
	[tilespmem:$0x10200] =	vst v63  }
0xd8: {  	s0 =	simm.s32 $0x2200  }
0xd9: {  	[tilespmem:s0], [sflag:$0x3] =	stream.indirect.gather [hbm4b:s5+s25], $0x40, s25, s25, $0xb8;
	[tilespmem:$0x10200] =	vst v63  }
0xda: {  	_ =	swait.ge [sflag:s17], $0x4000  }
0xdb: {  	s8 =	simm.s32 $0x0;
	[sflag:s17] =	ssyncset.done $0x0  }
0xdc: {  	s12 =	simm.s32 $0x0;
	s19 =	simm.s32 $0x0;
	[sflag:s17] =	ssyncadd.s32 $0xFFFFC000  }
.LBB2_15:
0xdd: {  	s0 =	sshll.u32 s19, $0x4  }
0xde: {  	v1 =	vmov s0  }
0xdf: {  	v1 =	vshll.u32 v1, $0x6  }
0xe0: {  	v3 =	vimm.s32 $0x0;
	v1 =	vor.u32 v0, v1  }
0xe1: {  	v14 =	vadd.s32 $0x8, v3;
	v4 =	vadd.s32 v1, v3  }
0xe2: {  	v11 =	vadd.s32 v1, v14  }
0xe3: {  	v5 =	vor.u32 $0x7, v4  }
0xe4: {  	v6 =	vor.u32 $0x1, v4  }
0xe5: {  	v7 =	vor.u32 $0x2, v4  }
0xe6: {  	v8 =	vor.u32 $0x3, v4;
	v2 =	vld.idx.msk [tilespmem:v4+s31+$0x0], $0xffff  }
0xe7: {  	v9 =	vor.u32 $0x4, v4;
	v3 =	vld.idx.msk [tilespmem:v11+s31+$0x0], $0xffff  }
0xe8: {  	s28 =	sshll.u32 s12, $0x2;
	s3 =	sand.u32 $0x7, s8;
	v10 =	vor.u32 $0x5, v4;
	v5 =	vld.idx.msk [tilespmem:v5+s31+$0x0], $0xffff  }
0xe9: {  	s0 =	sand.u32 $0xFFFFF000, s28;
	s3 =	sshll.u32 s3, $0x6;
	v4 =	vor.u32 $0x6, v4;
	v6 =	vld.idx.msk [tilespmem:v6+s31+$0x0], $0xffff  }
0xea: {  	s0 =	sor.u32 s3, s0;
	v15 =	vor.u32 $0x7, v11;
	v7 =	vld.idx.msk [tilespmem:v7+s31+$0x0], $0xffff  }
0xeb: {  	s0 =	sshrl.u32 s0, $0x2;
	v17 =	vor.u32 $0x1, v11;
	v16 =	vld.idx.msk [tilespmem:v8+s31+$0x0], $0xffff  }
0xec: {  	s3 =	sadd.s32 $0xC400, s0;
	v12 =	vor.u32 $0x2, v11;
	v13 =	vld.idx.msk [tilespmem:v9+s31+$0x0], $0xffff  }
0xed: {  	v10 =	vld.idx.msk [tilespmem:v10+s31+$0x0], $0xffff;
	v8 =	vor.u32 $0x3, v11;
	[tilespmem:s3+$0x180] =	vst v5  }
0xee: {  	v9 =	vld.idx.msk [tilespmem:v4+s31+$0x0], $0xffff;
	v4 =	vor.u32 $0x4, v11;
	[tilespmem:s3+$0xFFFFFE80] =	vst v6  }
0xef: {  	v6 =	vld.idx.msk [tilespmem:v15+s31+$0x0], $0xffff;
	[tilespmem:s3+$0xFFFFFF00] =	vst v7;
	v7 =	vor.u32 $0x5, v11  }
0xf0: {  	s21 =	simm.s32 $0x8;
	v14 =	vadd.s32 $0x8, v14;
	v5 =	vor.u32 $0x6, v11;
	v11 =	vld.idx.msk [tilespmem:v17+s31+$0x0], $0xffff;
	[tilespmem:s3+$0xFFFFFF80] =	vst v16  }
.LBB2_16:
0xf1: {  	v15 =	vadd.s32 v1, v14;
	s21 =	sadd.s32 $0x8, s21;
	v16 =	vld.idx.msk [tilespmem:v12+s31+$0x0], $0xffff;
	[tilespmem:s3+$0x0] =	vst v13  }
0xf2: {  	v17 =	vor.u32 $0x1, v15;
	v12 =	vor.u32 $0x2, v15;
	v18 =	vor.u32 $0x7, v15;
	p0 =	slt.u32 s21, $0x38;
	v19 =	vld.idx.msk [tilespmem:v8+s31+$0x0], $0xffff;
	[tilespmem:s3+$0x80] =	vst v10  }
0xf3: {  	v8 =	vor.u32 $0x3, v15;
	v20 =	vor.u32 $0x5, v15;
	v13 =	vld.idx.msk [tilespmem:v4+s31+$0x0], $0xffff;
	v4 =	vor.u32 $0x4, v15;
	[tilespmem:s3+$0x100] =	vst v9  }
.Ltmp6:
0xf4: {  	v21 =	vor.u32 $0x6, v15;
	v10 =	vld.idx.msk [tilespmem:v7+s31+$0x0], $0xffff;
	[tilespmem:s3+$0xFFFFFE00] =	vst v2;
	s3 =	sadd.s32 $0x800, s3;
	v7 =	vmov v20;
	v2 =	vmov v3;
	(pc) =	sbr.rel @p0 .LBB2_16-.Ltmp6, $4  }
0xf5: {  	v9 =	vld.idx.msk [tilespmem:v5+s31+$0x0], $0xffff;
	[tilespmem:s3+$0x180] =	vst v6;
	v5 =	vmov v21  }
0xf6: {  	v3 =	vld.idx.msk [tilespmem:v15+s31+$0x0], $0xffff;
	[tilespmem:s3+$0xFFFFFE80] =	vst v11  }
0xf7: {  	v6 =	vld.idx.msk [tilespmem:v18+s31+$0x0], $0xffff;
	[tilespmem:s3+$0xFFFFFF00] =	vst v16  }
0xf8: {  	v14 =	vadd.s32 $0x8, v14;
	v11 =	vld.idx.msk [tilespmem:v17+s31+$0x0], $0xffff;
	[tilespmem:s3+$0xFFFFFF80] =	vst v19  }
0xf9: {  	_ =	sdelay $0x1  }
0xfa: {  	[tilespmem:s3+$0x0] =	vst v13  }
0xfb: {  	[tilespmem:s3+$0x80] =	vst v10  }
0xfc: {  	v1 =	vld.idx.msk [tilespmem:v12+s31+$0x0], $0xffff;
	[tilespmem:s3+$0xFFFFFE00] =	vst v2  }
0xfd: {  	v8 =	vld.idx.msk [tilespmem:v8+s31+$0x0], $0xffff;
	s0 =	sadd.s32 $0x800, s3;
	[tilespmem:s3+$0x100] =	vst v9  }
0xfe: {  	v4 =	vld.idx.msk [tilespmem:v4+s31+$0x0], $0xffff;
	[tilespmem:s0+$0xFFFFFE00] =	vst v3  }
0xff: {  	v2 =	vld.idx.msk [tilespmem:v7+s31+$0x0], $0xffff;
	s19 =	sadd.s32 $0x1, s19;
	[tilespmem:s0+$0x180] =	vst v6  }
0x100: {  	v5 =	vld.idx.msk [tilespmem:v5+s31+$0x0], $0xffff;
	p0 =	sne.s32 s19, $0x10;
	[tilespmem:s0+$0xFFFFFE80] =	vst v11  }
.Ltmp7:
0x101: {  	[tilespmem:s0+$0xFFFFFF00] =	vst v1;
	(pc) =	sbr.rel @p0 .LBB2_15-.Ltmp7, $4  }
0x102: {  	[tilespmem:s0+$0xFFFFFF80] =	vst v8  }
0x103: {  	[tilespmem:s0+$0x0] =	vst v4  }
0x104: {  	[tilespmem:s0+$0x80] =	vst v2  }
0x105: {  	s12 =	sadd.s32 $0x80, s12;
	s8 =	sadd.s32 $0x1, s8;
	[tilespmem:s0+$0x100] =	vst v5  }
0x106: {  	s21 =	sadd.s32 $0x1, s22  }
0x107: {  	s0 =	sshll.u32 s21, $0x14  }
0x108: {  	s0 =	sor.u32 s11, s0  }
0x109: {  	s0 =	sshrl.u32 s0, $0x3  }
0x10a: {  	s0 =	sadd.s32 s1, s0  }
0x10b: {  	[hbm4b:s0+s9] =	stream.strided.scatter [tilespmem:s15], [sflag:$0x6], $0x4000, s10, s9, $0x38;
	[tilespmem:$0x10200] =	vst v63  }
0x10c: {  	_ =	swait.ge [sflag:s29], $0x2000  }
0x10d: {  	s19 =	sshll.u32 s22, $0xE;
	[sflag:s29] =	ssyncset.done $0x0  }
0x10e: {  	s8 =	sadd.s32 $0xC000, s19;
	[sflag:s29] =	ssyncadd.s32 $0xFFFFE000  }
0x10f: {  	s0 =	sor.u32 s6, s8;
	_ =	swait.ge [sflag:s29], $0x2000  }
0x110: {  	s0 =	sshrl.u32 s0, $0x3;
	[sflag:s29] =	ssyncset.done $0x0  }
0x111: {  	s12 =	simm.s32 $0x0;
	s0 =	sadd.s32 s4, s0;
	[sflag:s29] =	ssyncadd.s32 $0xFFFFE000  }
0x112: {  	[tilespmem:s12], [sflag:$0x1] =	stream.linear.gather [hbm4b:s0+s12], $0x100, $0x38;
	[tilespmem:$0x10200] =	vst v63  }
0x113: {  	_ =	swait.ge [sflag:s30], $0x100  }
0x114: {  	[sflag:s30] =	ssyncset.done $0x0  }
0x115: {  	[sflag:s30] =	ssyncadd.s32 $0xFFFFFF00  }
0x116: {  	[tilespmem:s31], [sflag:$0x4] =	stream.indirect.gather [hbm4b:s5+s25], $0x40, s23, s25, $0xb8;
	[tilespmem:$0x10200] =	vst v63  }
0x117: {  	s28 =	simm.s32 $0x180;
	s3 =	simm.s32 $0x6200  }
0x118: {  	[tilespmem:s3], [sflag:$0x4] =	stream.indirect.gather [hbm4b:s5+s25], $0x40, s28, s25, $0xb8;
	[tilespmem:$0x10200] =	vst v63  }
0x119: {  	_ =	swait.ge [sflag:s16], $0x4000  }
0x11a: {  	[sflag:s16] =	ssyncset.done $0x0  }
0x11b: {  	s19 =	simm.s32 $0x0;
	s3 =	simm.s32 $0x0;
	[sflag:s16] =	ssyncadd.s32 $0xFFFFC000  }
.LBB2_19:
0x11c: {  	s0 =	sshll.u32 s3, $0x4  }
0x11d: {  	v1 =	vmov s0  }
0x11e: {  	v1 =	vshll.u32 v1, $0x6  }
0x11f: {  	v3 =	vimm.s32 $0x0;
	v1 =	vor.u32 v0, v1  }
0x120: {  	v14 =	vadd.s32 $0x8, v3;
	v4 =	vadd.s32 v1, v3  }
0x121: {  	v11 =	vadd.s32 v1, v14  }
0x122: {  	v5 =	vor.u32 $0x7, v4  }
0x123: {  	v6 =	vor.u32 $0x1, v4  }
0x124: {  	v7 =	vor.u32 $0x2, v4  }
0x125: {  	v8 =	vor.u32 $0x3, v4;
	v2 =	vld.idx.msk [tilespmem:v4+s26+$0x0], $0xffff  }
0x126: {  	v9 =	vor.u32 $0x4, v4;
	v3 =	vld.idx.msk [tilespmem:v11+s26+$0x0], $0xffff  }
0x127: {  	s28 =	sand.u32 $0x7, s12;
	s0 =	sshll.u32 s19, $0x2;
	v10 =	vor.u32 $0x5, v4;
	v5 =	vld.idx.msk [tilespmem:v5+s26+$0x0], $0xffff  }
0x128: {  	s28 =	sshll.u32 s28, $0x6;
	s0 =	sand.u32 $0xFFFFF000, s0;
	v4 =	vor.u32 $0x6, v4;
	v6 =	vld.idx.msk [tilespmem:v6+s26+$0x0], $0xffff  }
0x129: {  	s0 =	sor.u32 s28, s0;
	v15 =	vor.u32 $0x7, v11;
	v7 =	vld.idx.msk [tilespmem:v7+s26+$0x0], $0xffff  }
0x12a: {  	s0 =	sshrl.u32 s0, $0x2;
	v17 =	vor.u32 $0x1, v11;
	v16 =	vld.idx.msk [tilespmem:v8+s26+$0x0], $0xffff  }
0x12b: {  	s28 =	sadd.s32 $0x8400, s0;
	v12 =	vor.u32 $0x2, v11;
	v13 =	vld.idx.msk [tilespmem:v9+s26+$0x0], $0xffff  }
0x12c: {  	v10 =	vld.idx.msk [tilespmem:v10+s26+$0x0], $0xffff;
	v8 =	vor.u32 $0x3, v11;
	[tilespmem:s28+$0x180] =	vst v5  }
0x12d: {  	v9 =	vld.idx.msk [tilespmem:v4+s26+$0x0], $0xffff;
	v4 =	vor.u32 $0x4, v11;
	[tilespmem:s28+$0xFFFFFE80] =	vst v6  }
0x12e: {  	v6 =	vld.idx.msk [tilespmem:v15+s26+$0x0], $0xffff;
	[tilespmem:s28+$0xFFFFFF00] =	vst v7;
	v7 =	vor.u32 $0x5, v11  }
0x12f: {  	v14 =	vadd.s32 $0x8, v14;
	s0 =	simm.s32 $0x8;
	v5 =	vor.u32 $0x6, v11;
	v11 =	vld.idx.msk [tilespmem:v17+s26+$0x0], $0xffff;
	[tilespmem:s28+$0xFFFFFF80] =	vst v16  }
.LBB2_20:
0x130: {  	v15 =	vadd.s32 v1, v14;
	s0 =	sadd.s32 $0x8, s0;
	v16 =	vld.idx.msk [tilespmem:v12+s26+$0x0], $0xffff;
	[tilespmem:s28+$0x0] =	vst v13  }
0x131: {  	v17 =	vor.u32 $0x1, v15;
	v12 =	vor.u32 $0x2, v15;
	v18 =	vor.u32 $0x7, v15;
	p0 =	slt.u32 s0, $0x38;
	v19 =	vld.idx.msk [tilespmem:v8+s26+$0x0], $0xffff;
	[tilespmem:s28+$0x80] =	vst v10  }
0x132: {  	v8 =	vor.u32 $0x3, v15;
	v20 =	vor.u32 $0x5, v15;
	v13 =	vld.idx.msk [tilespmem:v4+s26+$0x0], $0xffff;
	v4 =	vor.u32 $0x4, v15;
	[tilespmem:s28+$0x100] =	vst v9  }
.Ltmp8:
0x133: {  	v21 =	vor.u32 $0x6, v15;
	v10 =	vld.idx.msk [tilespmem:v7+s26+$0x0], $0xffff;
	[tilespmem:s28+$0xFFFFFE00] =	vst v2;
	s28 =	sadd.s32 $0x800, s28;
	v7 =	vmov v20;
	v2 =	vmov v3;
	(pc) =	sbr.rel @p0 .LBB2_20-.Ltmp8, $4  }
0x134: {  	v9 =	vld.idx.msk [tilespmem:v5+s26+$0x0], $0xffff;
	[tilespmem:s28+$0x180] =	vst v6;
	v5 =	vmov v21  }
0x135: {  	v3 =	vld.idx.msk [tilespmem:v15+s26+$0x0], $0xffff;
	[tilespmem:s28+$0xFFFFFE80] =	vst v11  }
0x136: {  	v6 =	vld.idx.msk [tilespmem:v18+s26+$0x0], $0xffff;
	[tilespmem:s28+$0xFFFFFF00] =	vst v16  }
0x137: {  	v14 =	vadd.s32 $0x8, v14;
	v11 =	vld.idx.msk [tilespmem:v17+s26+$0x0], $0xffff;
	[tilespmem:s28+$0xFFFFFF80] =	vst v19  }
0x138: {  	_ =	sdelay $0x1  }
0x139: {  	[tilespmem:s28+$0x0] =	vst v13  }
0x13a: {  	[tilespmem:s28+$0x80] =	vst v10  }
0x13b: {  	v1 =	vld.idx.msk [tilespmem:v12+s26+$0x0], $0xffff;
	[tilespmem:s28+$0xFFFFFE00] =	vst v2  }
0x13c: {  	v8 =	vld.idx.msk [tilespmem:v8+s26+$0x0], $0xffff;
	s0 =	sadd.s32 $0x800, s28;
	[tilespmem:s28+$0x100] =	vst v9  }
0x13d: {  	v4 =	vld.idx.msk [tilespmem:v4+s26+$0x0], $0xffff;
	[tilespmem:s0+$0xFFFFFE00] =	vst v3  }
0x13e: {  	v2 =	vld.idx.msk [tilespmem:v7+s26+$0x0], $0xffff;
	s3 =	sadd.s32 $0x1, s3;
	[tilespmem:s0+$0x180] =	vst v6  }
0x13f: {  	v5 =	vld.idx.msk [tilespmem:v5+s26+$0x0], $0xffff;
	p0 =	sne.s32 s3, $0x10;
	[tilespmem:s0+$0xFFFFFE80] =	vst v11  }
.Ltmp9:
0x140: {  	[tilespmem:s0+$0xFFFFFF00] =	vst v1;
	(pc) =	sbr.rel @p0 .LBB2_19-.Ltmp9, $4  }
0x141: {  	[tilespmem:s0+$0xFFFFFF80] =	vst v8  }
0x142: {  	[tilespmem:s0+$0x0] =	vst v4  }
0x143: {  	[tilespmem:s0+$0x80] =	vst v2  }
0x144: {  	s19 =	sadd.s32 $0x80, s19;
	s12 =	sadd.s32 $0x1, s12;
	[tilespmem:s0+$0x100] =	vst v5  }
0x145: {  	s0 =	sshll.u32 s22, $0x14  }
0x146: {  	s0 =	sadd.s32 s18, s0  }
0x147: {  	s0 =	sshrl.u32 s0, $0x3  }
0x148: {  	s0 =	sadd.s32 s1, s0  }
0x149: {  	[hbm4b:s0+s9] =	stream.strided.scatter [tilespmem:s13], [sflag:$0x5], $0x4000, s10, s9, $0x38;
	[tilespmem:$0x10200] =	vst v63  }
0x14a: {  	_ =	swait.ge [sflag:s14], $0x2000  }
0x14b: {  	p0 =	sne.s32 s21, $0xC5;
	[sflag:s14] =	ssyncset.done $0x0  }
.Ltmp10:
0x14c: {  	[sflag:s14] =	ssyncadd.s32 $0xFFFFE000;
	(pc) =	sbr.rel @p0 .LBB2_14-.Ltmp10, $4  }
0x14d: {  	s28 =	sor.u32 s7, s8;
	_ =	swait.ge [sflag:s14], $0x2000  }
0x14e: {  	s0 =	sshrl.u32 s28, $0x3;
	[sflag:s14] =	ssyncset.done $0x0  }
0x14f: {  	s22 =	smov.u32 s21;
	s0 =	sadd.s32 s4, s0;
	[sflag:s14] =	ssyncadd.s32 $0xFFFFE000  }
0x150: {  	[tilespmem:s23], [sflag:$0x2] =	stream.linear.gather [hbm4b:s0+s2], $0x100, $0x38;
	[tilespmem:$0x10200] =	vst v63  }
0x151: {  	_ =	swait.ge [sflag:s24], $0x100  }
0x152: {  	[sflag:s24] =	ssyncset.done $0x0  }
0x153: {  	s8 =	simm.s32 $0x0;
	[sflag:s24] =	ssyncadd.s32 $0xFFFFFF00  }
0x154: {  	[tilespmem:s26], [sflag:$0x3] =	stream.indirect.gather [hbm4b:s5+s25], $0x40, s8, s25, $0xb8;
	[tilespmem:$0x10200] =	vst v63  }
0x155: {  	s0 =	simm.s32 $0x2200  }
0x156: {  	[tilespmem:s0], [sflag:$0x3] =	stream.indirect.gather [hbm4b:s5+s25], $0x40, s25, s25, $0xb8;
	[tilespmem:$0x10200] =	vst v63  }
0x157: {  	_ =	swait.ge [sflag:s17], $0x4000  }
0x158: {  	[sflag:s17] =	ssyncset.done $0x0  }
0x159: {  	s12 =	simm.s32 $0x0;
	s3 =	simm.s32 $0x0;
	[sflag:s17] =	ssyncadd.s32 $0xFFFFC000  }
.LBB2_24:
0x15a: {  	s0 =	sshll.u32 s3, $0x4  }
0x15b: {  	v1 =	vmov s0  }
0x15c: {  	v1 =	vshll.u32 v1, $0x6  }
0x15d: {  	v3 =	vimm.s32 $0x0;
	v1 =	vor.u32 v0, v1  }
0x15e: {  	v14 =	vadd.s32 $0x8, v3;
	v4 =	vadd.s32 v1, v3  }
0x15f: {  	v11 =	vadd.s32 v1, v14  }
0x160: {  	v5 =	vor.u32 $0x7, v4  }
0x161: {  	v6 =	vor.u32 $0x1, v4  }
0x162: {  	v7 =	vor.u32 $0x2, v4  }
0x163: {  	v8 =	vor.u32 $0x3, v4;
	v2 =	vld.idx.msk [tilespmem:v4+s31+$0x0], $0xffff  }
0x164: {  	v9 =	vor.u32 $0x4, v4;
	v3 =	vld.idx.msk [tilespmem:v11+s31+$0x0], $0xffff  }
0x165: {  	s28 =	sshll.u32 s12, $0x2;
	s19 =	sand.u32 $0x7, s8;
	v10 =	vor.u32 $0x5, v4;
	v5 =	vld.idx.msk [tilespmem:v5+s31+$0x0], $0xffff  }
0x166: {  	s0 =	sand.u32 $0xFFFFF000, s28;
	s19 =	sshll.u32 s19, $0x6;
	v4 =	vor.u32 $0x6, v4;
	v6 =	vld.idx.msk [tilespmem:v6+s31+$0x0], $0xffff  }
0x167: {  	s0 =	sor.u32 s19, s0;
	v15 =	vor.u32 $0x7, v11;
	v7 =	vld.idx.msk [tilespmem:v7+s31+$0x0], $0xffff  }
0x168: {  	s0 =	sshrl.u32 s0, $0x2;
	v17 =	vor.u32 $0x1, v11;
	v16 =	vld.idx.msk [tilespmem:v8+s31+$0x0], $0xffff  }
0x169: {  	s19 =	sadd.s32 $0xC400, s0;
	v12 =	vor.u32 $0x2, v11;
	v13 =	vld.idx.msk [tilespmem:v9+s31+$0x0], $0xffff  }
0x16a: {  	v10 =	vld.idx.msk [tilespmem:v10+s31+$0x0], $0xffff;
	v8 =	vor.u32 $0x3, v11;
	[tilespmem:s19+$0x180] =	vst v5  }
0x16b: {  	v9 =	vld.idx.msk [tilespmem:v4+s31+$0x0], $0xffff;
	v4 =	vor.u32 $0x4, v11;
	[tilespmem:s19+$0xFFFFFE80] =	vst v6  }
0x16c: {  	v6 =	vld.idx.msk [tilespmem:v15+s31+$0x0], $0xffff;
	[tilespmem:s19+$0xFFFFFF00] =	vst v7;
	v7 =	vor.u32 $0x5, v11  }
0x16d: {  	s0 =	simm.s32 $0x8;
	v14 =	vadd.s32 $0x8, v14;
	v5 =	vor.u32 $0x6, v11;
	v11 =	vld.idx.msk [tilespmem:v17+s31+$0x0], $0xffff;
	[tilespmem:s19+$0xFFFFFF80] =	vst v16  }
.LBB2_25:
0x16e: {  	v15 =	vadd.s32 v1, v14;
	s0 =	sadd.s32 $0x8, s0;
	v16 =	vld.idx.msk [tilespmem:v12+s31+$0x0], $0xffff;
	[tilespmem:s19+$0x0] =	vst v13  }
0x16f: {  	v17 =	vor.u32 $0x1, v15;
	v12 =	vor.u32 $0x2, v15;
	v18 =	vor.u32 $0x7, v15;
	p0 =	slt.u32 s0, $0x38;
	v19 =	vld.idx.msk [tilespmem:v8+s31+$0x0], $0xffff;
	[tilespmem:s19+$0x80] =	vst v10  }
0x170: {  	v8 =	vor.u32 $0x3, v15;
	v20 =	vor.u32 $0x5, v15;
	v13 =	vld.idx.msk [tilespmem:v4+s31+$0x0], $0xffff;
	v4 =	vor.u32 $0x4, v15;
	[tilespmem:s19+$0x100] =	vst v9  }
.Ltmp11:
0x171: {  	v21 =	vor.u32 $0x6, v15;
	v10 =	vld.idx.msk [tilespmem:v7+s31+$0x0], $0xffff;
	[tilespmem:s19+$0xFFFFFE00] =	vst v2;
	s19 =	sadd.s32 $0x800, s19;
	v7 =	vmov v20;
	v2 =	vmov v3;
	(pc) =	sbr.rel @p0 .LBB2_25-.Ltmp11, $4  }
0x172: {  	v9 =	vld.idx.msk [tilespmem:v5+s31+$0x0], $0xffff;
	[tilespmem:s19+$0x180] =	vst v6;
	v5 =	vmov v21  }
0x173: {  	v3 =	vld.idx.msk [tilespmem:v15+s31+$0x0], $0xffff;
	[tilespmem:s19+$0xFFFFFE80] =	vst v11  }
0x174: {  	v6 =	vld.idx.msk [tilespmem:v18+s31+$0x0], $0xffff;
	[tilespmem:s19+$0xFFFFFF00] =	vst v16  }
0x175: {  	v14 =	vadd.s32 $0x8, v14;
	v11 =	vld.idx.msk [tilespmem:v17+s31+$0x0], $0xffff;
	[tilespmem:s19+$0xFFFFFF80] =	vst v19  }
0x176: {  	_ =	sdelay $0x1  }
0x177: {  	[tilespmem:s19+$0x0] =	vst v13  }
0x178: {  	[tilespmem:s19+$0x80] =	vst v10  }
0x179: {  	v1 =	vld.idx.msk [tilespmem:v12+s31+$0x0], $0xffff;
	[tilespmem:s19+$0xFFFFFE00] =	vst v2  }
0x17a: {  	v8 =	vld.idx.msk [tilespmem:v8+s31+$0x0], $0xffff;
	s0 =	sadd.s32 $0x800, s19;
	[tilespmem:s19+$0x100] =	vst v9  }
0x17b: {  	v4 =	vld.idx.msk [tilespmem:v4+s31+$0x0], $0xffff;
	[tilespmem:s0+$0xFFFFFE00] =	vst v3  }
0x17c: {  	v2 =	vld.idx.msk [tilespmem:v7+s31+$0x0], $0xffff;
	s3 =	sadd.s32 $0x1, s3;
	[tilespmem:s0+$0x180] =	vst v6  }
0x17d: {  	v5 =	vld.idx.msk [tilespmem:v5+s31+$0x0], $0xffff;
	p0 =	sne.s32 s3, $0x10;
	[tilespmem:s0+$0xFFFFFE80] =	vst v11  }
.Ltmp12:
0x17e: {  	[tilespmem:s0+$0xFFFFFF00] =	vst v1;
	(pc) =	sbr.rel @p0 .LBB2_24-.Ltmp12, $4  }
0x17f: {  	[tilespmem:s0+$0xFFFFFF80] =	vst v8  }
0x180: {  	[tilespmem:s0+$0x0] =	vst v4  }
0x181: {  	[tilespmem:s0+$0x80] =	vst v2  }
0x182: {  	s12 =	sadd.s32 $0x80, s12;
	s8 =	sadd.s32 $0x1, s8;
	[tilespmem:s0+$0x100] =	vst v5  }
0x183: {  	s0 =	rddreg [dreg:$0xc]  }
0x184: {  	[hbm4b:s0+s9] =	stream.strided.scatter [tilespmem:s15], [sflag:$0x6], $0x4000, s10, s9, $0x38;
	[tilespmem:$0x10200] =	vst v63  }
0x185: {  	_ =	swait.ge [sflag:s29], $0x2000  }
0x186: {  	[sflag:s29] =	ssyncset.done $0x0  }
0x187: {  	[sflag:s29] =	ssyncadd.s32 $0xFFFFE000  }
0x188: {  	_ =	swait.ge [sflag:s29], $0x2000  }
0x189: {  	[sflag:s29] =	ssyncset.done $0x0  }
0x18a: {  	[sflag:s29] =	ssyncadd.s32 $0xFFFFE000  }
0x18b: {  	_ =	swait.ge [sflag:s30], $0x100  }
0x18c: {  	[sflag:s30] =	ssyncset.done $0x0  }
0x18d: {  	[sflag:s30] =	ssyncadd.s32 $0xFFFFFF00  }
0x18e: {  	[tilespmem:s31], [sflag:$0x4] =	stream.indirect.gather [hbm4b:s5+s25], $0x40, s23, s25, $0xb8;
	[tilespmem:$0x10200] =	vst v63  }
0x18f: {  	s28 =	simm.s32 $0x180;
	s2 =	simm.s32 $0x6200  }
0x190: {  	[tilespmem:s2], [sflag:$0x4] =	stream.indirect.gather [hbm4b:s5+s25], $0x40, s28, s25, $0xb8;
	[tilespmem:$0x10200] =	vst v63  }
0x191: {  	_ =	swait.ge [sflag:s16], $0x4000  }
0x192: {  	s8 =	simm.s32 $0x0;
	s12 =	simm.s32 $0x0;
	[sflag:s16] =	ssyncset.done $0x0  }
0x193: {  	s3 =	simm.s32 $0x0;
	s2 =	rddreg [dreg:$0x10];
	[sflag:s16] =	ssyncadd.s32 $0xFFFFC000  }
.LBB2_28:
0x194: {  	s0 =	sshll.u32 s3, $0x4  }
0x195: {  	v1 =	vmov s0  }
0x196: {  	v1 =	vshll.u32 v1, $0x6  }
0x197: {  	v3 =	vimm.s32 $0x0;
	v1 =	vor.u32 v0, v1  }
0x198: {  	v14 =	vadd.s32 $0x8, v3;
	v4 =	vadd.s32 v1, v3  }
0x199: {  	v11 =	vadd.s32 v1, v14  }
0x19a: {  	v5 =	vor.u32 $0x7, v4  }
0x19b: {  	v6 =	vor.u32 $0x1, v4  }
0x19c: {  	v7 =	vor.u32 $0x2, v4  }
0x19d: {  	v8 =	vor.u32 $0x3, v4;
	v2 =	vld.idx.msk [tilespmem:v4+s26+$0x0], $0xffff  }
0x19e: {  	v9 =	vor.u32 $0x4, v4;
	v3 =	vld.idx.msk [tilespmem:v11+s26+$0x0], $0xffff  }
0x19f: {  	s28 =	sshll.u32 s12, $0x2;
	s19 =	sand.u32 $0x7, s8;
	v10 =	vor.u32 $0x5, v4;
	v5 =	vld.idx.msk [tilespmem:v5+s26+$0x0], $0xffff  }
0x1a0: {  	s0 =	sand.u32 $0xFFFFF000, s28;
	s19 =	sshll.u32 s19, $0x6;
	v4 =	vor.u32 $0x6, v4;
	v6 =	vld.idx.msk [tilespmem:v6+s26+$0x0], $0xffff  }
0x1a1: {  	s0 =	sor.u32 s19, s0;
	v15 =	vor.u32 $0x7, v11;
	v7 =	vld.idx.msk [tilespmem:v7+s26+$0x0], $0xffff  }
0x1a2: {  	s0 =	sshrl.u32 s0, $0x2;
	v17 =	vor.u32 $0x1, v11;
	v16 =	vld.idx.msk [tilespmem:v8+s26+$0x0], $0xffff  }
0x1a3: {  	s19 =	sadd.s32 $0x8400, s0;
	v12 =	vor.u32 $0x2, v11;
	v13 =	vld.idx.msk [tilespmem:v9+s26+$0x0], $0xffff  }
0x1a4: {  	v10 =	vld.idx.msk [tilespmem:v10+s26+$0x0], $0xffff;
	v8 =	vor.u32 $0x3, v11;
	[tilespmem:s19+$0x180] =	vst v5  }
0x1a5: {  	v9 =	vld.idx.msk [tilespmem:v4+s26+$0x0], $0xffff;
	v4 =	vor.u32 $0x4, v11;
	[tilespmem:s19+$0xFFFFFE80] =	vst v6  }
0x1a6: {  	v6 =	vld.idx.msk [tilespmem:v15+s26+$0x0], $0xffff;
	[tilespmem:s19+$0xFFFFFF00] =	vst v7;
	v7 =	vor.u32 $0x5, v11  }
0x1a7: {  	s0 =	simm.s32 $0x8;
	v14 =	vadd.s32 $0x8, v14;
	v5 =	vor.u32 $0x6, v11;
	v11 =	vld.idx.msk [tilespmem:v17+s26+$0x0], $0xffff;
	[tilespmem:s19+$0xFFFFFF80] =	vst v16  }
.LBB2_29:
0x1a8: {  	v15 =	vadd.s32 v1, v14;
	s0 =	sadd.s32 $0x8, s0;
	v16 =	vld.idx.msk [tilespmem:v12+s26+$0x0], $0xffff;
	[tilespmem:s19+$0x0] =	vst v13  }
0x1a9: {  	v17 =	vor.u32 $0x1, v15;
	v12 =	vor.u32 $0x2, v15;
	v18 =	vor.u32 $0x7, v15;
	p0 =	slt.u32 s0, $0x38;
	v19 =	vld.idx.msk [tilespmem:v8+s26+$0x0], $0xffff;
	[tilespmem:s19+$0x80] =	vst v10  }
0x1aa: {  	v8 =	vor.u32 $0x3, v15;
	v20 =	vor.u32 $0x5, v15;
	v13 =	vld.idx.msk [tilespmem:v4+s26+$0x0], $0xffff;
	v4 =	vor.u32 $0x4, v15;
	[tilespmem:s19+$0x100] =	vst v9  }
.Ltmp13:
0x1ab: {  	v21 =	vor.u32 $0x6, v15;
	v10 =	vld.idx.msk [tilespmem:v7+s26+$0x0], $0xffff;
	[tilespmem:s19+$0xFFFFFE00] =	vst v2;
	s19 =	sadd.s32 $0x800, s19;
	v7 =	vmov v20;
	v2 =	vmov v3;
	(pc) =	sbr.rel @p0 .LBB2_29-.Ltmp13, $4  }
0x1ac: {  	v9 =	vld.idx.msk [tilespmem:v5+s26+$0x0], $0xffff;
	[tilespmem:s19+$0x180] =	vst v6;
	v5 =	vmov v21  }
0x1ad: {  	v3 =	vld.idx.msk [tilespmem:v15+s26+$0x0], $0xffff;
	[tilespmem:s19+$0xFFFFFE80] =	vst v11  }
0x1ae: {  	v6 =	vld.idx.msk [tilespmem:v18+s26+$0x0], $0xffff;
	[tilespmem:s19+$0xFFFFFF00] =	vst v16  }
0x1af: {  	v14 =	vadd.s32 $0x8, v14;
	v11 =	vld.idx.msk [tilespmem:v17+s26+$0x0], $0xffff;
	[tilespmem:s19+$0xFFFFFF80] =	vst v19  }
0x1b0: {  	_ =	sdelay $0x1  }
0x1b1: {  	[tilespmem:s19+$0x0] =	vst v13  }
0x1b2: {  	[tilespmem:s19+$0x80] =	vst v10  }
0x1b3: {  	v1 =	vld.idx.msk [tilespmem:v12+s26+$0x0], $0xffff;
	[tilespmem:s19+$0xFFFFFE00] =	vst v2  }
0x1b4: {  	v8 =	vld.idx.msk [tilespmem:v8+s26+$0x0], $0xffff;
	s0 =	sadd.s32 $0x800, s19;
	[tilespmem:s19+$0x100] =	vst v9  }
0x1b5: {  	v4 =	vld.idx.msk [tilespmem:v4+s26+$0x0], $0xffff;
	[tilespmem:s0+$0xFFFFFE00] =	vst v3  }
0x1b6: {  	v2 =	vld.idx.msk [tilespmem:v7+s26+$0x0], $0xffff;
	s3 =	sadd.s32 $0x1, s3;
	[tilespmem:s0+$0x180] =	vst v6  }
0x1b7: {  	v5 =	vld.idx.msk [tilespmem:v5+s26+$0x0], $0xffff;
	p0 =	sne.s32 s3, $0x10;
	[tilespmem:s0+$0xFFFFFE80] =	vst v11  }
.Ltmp14:
0x1b8: {  	[tilespmem:s0+$0xFFFFFF00] =	vst v1;
	(pc) =	sbr.rel @p0 .LBB2_28-.Ltmp14, $4  }
0x1b9: {  	[tilespmem:s0+$0xFFFFFF80] =	vst v8  }
0x1ba: {  	[tilespmem:s0+$0x0] =	vst v4  }
0x1bb: {  	[tilespmem:s0+$0x80] =	vst v2  }
0x1bc: {  	s12 =	sadd.s32 $0x80, s12;
	s8 =	sadd.s32 $0x1, s8;
	[tilespmem:s0+$0x100] =	vst v5  }
0x1bd: {  	s0 =	rddreg [dreg:$0xd]  }
0x1be: {  	[hbm4b:s0+s9] =	stream.strided.scatter [tilespmem:s13], [sflag:$0x5], $0x4000, s10, s9, $0x38;
	[tilespmem:$0x10200] =	vst v63  }
0x1bf: {  	_ =	swait.ge [sflag:s14], $0x2000  }
0x1c0: {  	[sflag:s14] =	ssyncset.done $0x0  }
0x1c1: {  	[sflag:s14] =	ssyncadd.s32 $0xFFFFE000  }
0x1c2: {  	_ =	swait.ge [sflag:s14], $0x2000  }
0x1c3: {  	[sflag:s14] =	ssyncset.done $0x0  }
0x1c4: {  	[sflag:s14] =	ssyncadd.s32 $0xFFFFE000  }
0x1c5: {  	_ =	swait.ge [sflag:s17], $0x4000  }
0x1c6: {  	s8 =	simm.s32 $0x0;
	[sflag:s17] =	ssyncset.done $0x0  }
0x1c7: {  	s12 =	simm.s32 $0x0;
	s3 =	simm.s32 $0x0;
	[sflag:s17] =	ssyncadd.s32 $0xFFFFC000  }
.LBB2_32:
0x1c8: {  	s0 =	sshll.u32 s3, $0x4  }
0x1c9: {  	v1 =	vmov s0  }
0x1ca: {  	v1 =	vshll.u32 v1, $0x6  }
0x1cb: {  	v3 =	vimm.s32 $0x0;
	v1 =	vor.u32 v0, v1  }
0x1cc: {  	v14 =	vadd.s32 $0x8, v3;
	v4 =	vadd.s32 v1, v3  }
0x1cd: {  	v11 =	vadd.s32 v1, v14  }
0x1ce: {  	v5 =	vor.u32 $0x7, v4  }
0x1cf: {  	v6 =	vor.u32 $0x1, v4  }
0x1d0: {  	v7 =	vor.u32 $0x2, v4  }
0x1d1: {  	v8 =	vor.u32 $0x3, v4;
	v2 =	vld.idx.msk [tilespmem:v4+s31+$0x0], $0xffff  }
0x1d2: {  	v9 =	vor.u32 $0x4, v4;
	v3 =	vld.idx.msk [tilespmem:v11+s31+$0x0], $0xffff  }
0x1d3: {  	s28 =	sshll.u32 s12, $0x2;
	s19 =	sand.u32 $0x7, s8;
	v10 =	vor.u32 $0x5, v4;
	v5 =	vld.idx.msk [tilespmem:v5+s31+$0x0], $0xffff  }
0x1d4: {  	s0 =	sand.u32 $0xFFFFF000, s28;
	s19 =	sshll.u32 s19, $0x6;
	v4 =	vor.u32 $0x6, v4;
	v6 =	vld.idx.msk [tilespmem:v6+s31+$0x0], $0xffff  }
0x1d5: {  	s0 =	sor.u32 s19, s0;
	v15 =	vor.u32 $0x7, v11;
	v7 =	vld.idx.msk [tilespmem:v7+s31+$0x0], $0xffff  }
0x1d6: {  	s0 =	sshrl.u32 s0, $0x2;
	v17 =	vor.u32 $0x1, v11;
	v16 =	vld.idx.msk [tilespmem:v8+s31+$0x0], $0xffff  }
0x1d7: {  	s19 =	sadd.s32 $0xC400, s0;
	v12 =	vor.u32 $0x2, v11;
	v13 =	vld.idx.msk [tilespmem:v9+s31+$0x0], $0xffff  }
0x1d8: {  	v10 =	vld.idx.msk [tilespmem:v10+s31+$0x0], $0xffff;
	v8 =	vor.u32 $0x3, v11;
	[tilespmem:s19+$0x180] =	vst v5  }
0x1d9: {  	v9 =	vld.idx.msk [tilespmem:v4+s31+$0x0], $0xffff;
	v4 =	vor.u32 $0x4, v11;
	[tilespmem:s19+$0xFFFFFE80] =	vst v6  }
0x1da: {  	v6 =	vld.idx.msk [tilespmem:v15+s31+$0x0], $0xffff;
	[tilespmem:s19+$0xFFFFFF00] =	vst v7;
	v7 =	vor.u32 $0x5, v11  }
0x1db: {  	s0 =	simm.s32 $0x8;
	v14 =	vadd.s32 $0x8, v14;
	v5 =	vor.u32 $0x6, v11;
	v11 =	vld.idx.msk [tilespmem:v17+s31+$0x0], $0xffff;
	[tilespmem:s19+$0xFFFFFF80] =	vst v16  }
.LBB2_33:
0x1dc: {  	v15 =	vadd.s32 v1, v14;
	s0 =	sadd.s32 $0x8, s0;
	v16 =	vld.idx.msk [tilespmem:v12+s31+$0x0], $0xffff;
	[tilespmem:s19+$0x0] =	vst v13  }
0x1dd: {  	v17 =	vor.u32 $0x1, v15;
	v12 =	vor.u32 $0x2, v15;
	v18 =	vor.u32 $0x7, v15;
	p0 =	slt.u32 s0, $0x38;
	v19 =	vld.idx.msk [tilespmem:v8+s31+$0x0], $0xffff;
	[tilespmem:s19+$0x80] =	vst v10  }
0x1de: {  	v8 =	vor.u32 $0x3, v15;
	v20 =	vor.u32 $0x5, v15;
	v13 =	vld.idx.msk [tilespmem:v4+s31+$0x0], $0xffff;
	v4 =	vor.u32 $0x4, v15;
	[tilespmem:s19+$0x100] =	vst v9  }
.Ltmp15:
0x1df: {  	v21 =	vor.u32 $0x6, v15;
	v10 =	vld.idx.msk [tilespmem:v7+s31+$0x0], $0xffff;
	[tilespmem:s19+$0xFFFFFE00] =	vst v2;
	s19 =	sadd.s32 $0x800, s19;
	v7 =	vmov v20;
	v2 =	vmov v3;
	(pc) =	sbr.rel @p0 .LBB2_33-.Ltmp15, $4  }
0x1e0: {  	v9 =	vld.idx.msk [tilespmem:v5+s31+$0x0], $0xffff;
	[tilespmem:s19+$0x180] =	vst v6;
	v5 =	vmov v21  }
0x1e1: {  	v3 =	vld.idx.msk [tilespmem:v15+s31+$0x0], $0xffff;
	[tilespmem:s19+$0xFFFFFE80] =	vst v11  }
0x1e2: {  	v6 =	vld.idx.msk [tilespmem:v18+s31+$0x0], $0xffff;
	[tilespmem:s19+$0xFFFFFF00] =	vst v16  }
0x1e3: {  	v14 =	vadd.s32 $0x8, v14;
	v11 =	vld.idx.msk [tilespmem:v17+s31+$0x0], $0xffff;
	[tilespmem:s19+$0xFFFFFF80] =	vst v19  }
0x1e4: {  	_ =	sdelay $0x1  }
0x1e5: {  	[tilespmem:s19+$0x0] =	vst v13  }
0x1e6: {  	[tilespmem:s19+$0x80] =	vst v10  }
0x1e7: {  	v1 =	vld.idx.msk [tilespmem:v12+s31+$0x0], $0xffff;
	[tilespmem:s19+$0xFFFFFE00] =	vst v2  }
0x1e8: {  	v8 =	vld.idx.msk [tilespmem:v8+s31+$0x0], $0xffff;
	s0 =	sadd.s32 $0x800, s19;
	[tilespmem:s19+$0x100] =	vst v9  }
0x1e9: {  	v4 =	vld.idx.msk [tilespmem:v4+s31+$0x0], $0xffff;
	[tilespmem:s0+$0xFFFFFE00] =	vst v3  }
0x1ea: {  	v2 =	vld.idx.msk [tilespmem:v7+s31+$0x0], $0xffff;
	s3 =	sadd.s32 $0x1, s3;
	[tilespmem:s0+$0x180] =	vst v6  }
0x1eb: {  	v5 =	vld.idx.msk [tilespmem:v5+s31+$0x0], $0xffff;
	p0 =	sne.s32 s3, $0x10;
	[tilespmem:s0+$0xFFFFFE80] =	vst v11  }
.Ltmp16:
0x1ec: {  	[tilespmem:s0+$0xFFFFFF00] =	vst v1;
	(pc) =	sbr.rel @p0 .LBB2_32-.Ltmp16, $4  }
0x1ed: {  	[tilespmem:s0+$0xFFFFFF80] =	vst v8  }
0x1ee: {  	[tilespmem:s0+$0x0] =	vst v4  }
0x1ef: {  	[tilespmem:s0+$0x80] =	vst v2  }
0x1f0: {  	s12 =	sadd.s32 $0x80, s12;
	s8 =	sadd.s32 $0x1, s8;
	[tilespmem:s0+$0x100] =	vst v5  }
0x1f1: {  	s0 =	rddreg [dreg:$0xe]  }
0x1f2: {  	[hbm4b:s0+s9] =	stream.strided.scatter [tilespmem:s15], [sflag:$0x6], $0x4000, s10, s9, $0x38;
	[tilespmem:$0x10200] =	vst v63  }
0x1f3: {  	_ =	swait.ge [sflag:s16], $0x4000  }
0x1f4: {  	[sflag:s16] =	ssyncset.done $0x0  }
0x1f5: {  	[sflag:s16] =	ssyncadd.s32 $0xFFFFC000  }
0x1f6: {  	_ =	swait.ge [sflag:s17], $0x4000  }
0x1f7: {  	s2 =	sadd.s32 $0x1, s2;
	s28 =	rddreg [dreg:$0xf]  }
0x1f8: {  	p0 =	sne.s32 s2, s28  }
.Ltmp17:
0x1f9: {  	_ = 	snop;
	(pc) =	sbr.rel @p0 .LBB2_1-.Ltmp17, $3  }
0x1fa: {  	_ =	sdelay $0x1  }
0x1fb: {  	[sflag:s17] =	ssyncset.done $0x0  }
0x1fc: {  	[sflag:s17] =	ssyncadd.s32 $0xFFFFC000  }
0x1fd: {  	_ =	sfence.sel $0x180000  }
0x1fe: {  	[bflag:$0x0] =	sbarrier.arrive $0xFFFF  }
0x1ff: {  	_ =	strace $0x90000047  }
0x200: {  	s0 =	stileid.u32;
	[bflag:$0x2] =	sbarrier.arrive $0xFFFF  }
0x201: {  	p0 =	sne.s32 s0, $0x0;
	s0 =	rddreg [dreg:$0x2]  }
0x202: {  	s0 =	sadd.s32 @!p0 $0x100000, s0  }
0x203: {  	[sflag:s0] =	ssyncadd.tile.s32 @!p0 $0x1;
	_ =	shalt  }
.Lfunc_end2:
_tile_overlayer_lowered:
.L_overlay_start_2:
0x204: {  	(tag) =	ssettag $0x2  }
0x205: {  	s0 =	rddreg [dreg:$0x0];
	s2 =	stileid.u32  }
0x206: {  	s1 =	rddreg [dreg:$0x1];
	p0 =	sne.s32 s2, $0x0  }
0x207: {  	s3 =	rddreg [dreg:$0x2];
	[bflag:$0x3] =	sbarrier.arrive $0xFFFF;
	s2 =	simm.s32 @!p0 $0x1C07  }
0x208: {  	[timem:s3], [sflag:s2] =	dma.local @!p0 [hbm:s0], s1  }
0x209: {  	s0 =	simm.s32 @!p0 $0x7  }
0x20a: {  	_ =	swait.ge @!p0 [sflag:s0], s1  }
0x20b: {  	s1 =	ssub.s32 @!p0 $0x0, s1;
	[sflag:s0] =	ssyncset.done @!p0 $0x0  }
0x20c: {  	[sflag:s0] =	ssyncadd.s32 @!p0 s1  }
0x20d: {  	[bflag:$0x3] =	sbarrier.arrive $0xFFFF  }
0x20e: {  	_ =	shalt  }

</sc_bundles>
